<compile_context>
chip_gen: v7x
topology: tpu7x:2x2x1
jax: 0.10.2.dev20260603
libtpu: 0.0.44.dev20260713+nightly
codegen_flags: <defaults>
</compile_context>

<pallas_src>
import functools

import jax
import jax.numpy as jnp
from jax import lax
from jax.experimental import pallas as pl
from jax.experimental.pallas import tpu as pltpu
from jax.experimental.pallas import tpu_sc as plsc

N = 10000
E = 320000
D_IN = 128
H = 256
D_OUT = 3

NPAD = 10240
CHUNK = 128
NSUB = 16
NCORE = 2
C = 160
EPAD = NSUB * C * CHUNK
G = 32
NG = C // G
BM = 512
GRID = NPAD // BM
STRIPE = NPAD // NSUB

_mesh = plsc.VectorSubcoreMesh(core_axis_name="c", subcore_axis_name="s")


@functools.partial(
    pl.kernel,
    out_type=jax.ShapeDtypeStruct((NCORE * NPAD, 128), jnp.float32),
    mesh=_mesh,
    scratch_types=[
        pltpu.VMEM((C, CHUNK), jnp.int32),
        pltpu.VMEM((CHUNK, 128), jnp.float32),
        pltpu.VMEM_SHARED((NPAD, 128), jnp.float32),
    ],
)
def _deg_kernel(dst_hbm, ones_hbm, zeros_hbm, out_hbm, idx_v, ones_v, deg_sh):
    c = lax.axis_index("c")
    s = lax.axis_index("s")
    pltpu.sync_copy(dst_hbm.at[s], idx_v)
    pltpu.sync_copy(ones_hbm, ones_v)
    pltpu.sync_copy(zeros_hbm.at[pl.ds(s * STRIPE, STRIPE)],
                    deg_sh.at[pl.ds(s * STRIPE, STRIPE)])
    plsc.subcore_barrier()
    lo = c * (C // 2)

    def body(j, _):
        pltpu.sync_copy(ones_v, deg_sh.at[idx_v.at[j]], add=True)
        return 0

    lax.fori_loop(lo, lo + C // 2, body, 0)
    plsc.subcore_barrier()
    pltpu.sync_copy(deg_sh.at[pl.ds(s * STRIPE, STRIPE)],
                    out_hbm.at[pl.ds(c * NPAD + s * STRIPE, STRIPE)])


@functools.partial(
    pl.kernel,
    out_type=jax.ShapeDtypeStruct((NCORE * NPAD, 128), jnp.float32),
    mesh=_mesh,
    scratch_types=[
        pltpu.VMEM((G, CHUNK), jnp.int32),
        pltpu.VMEM((G, CHUNK), jnp.int32),
        pltpu.VMEM((CHUNK, 128), jnp.float32),
        pltpu.VMEM((CHUNK, 128), jnp.float32),
        pltpu.VMEM_SHARED((NPAD, 128), jnp.float32),
        pltpu.SemaphoreType.DMA,
        pltpu.SemaphoreType.DMA,
    ],
)
def _agg_kernel(plo_hbm, phi_hbm, src_hbm, dst_hbm, zeros_hbm, out_hbm,
                src_v, dst_v, buf_a, buf_b, acc_sh, sem_a, sem_b):
    c = lax.axis_index("c")
    s = lax.axis_index("s")
    pltpu.sync_copy(zeros_hbm.at[pl.ds(s * STRIPE, STRIPE)],
                    acc_sh.at[pl.ds(s * STRIPE, STRIPE)])
    plsc.subcore_barrier()

    def run(tbl):
        def outer(g, _):
            pltpu.sync_copy(src_hbm.at[s, pl.ds(g * G, G)], src_v)
            pltpu.sync_copy(dst_hbm.at[s, pl.ds(g * G, G)], dst_v)
            pltpu.async_copy(tbl.at[src_v.at[0]], buf_a, sem_a)

            def body(jj, _):
                j0 = 2 * jj
                pltpu.async_copy(tbl.at[src_v.at[j0 + 1]], buf_b, sem_b)
                pltpu.make_async_copy(tbl.at[src_v.at[j0]], buf_a,
                                      sem_a).wait()
                pltpu.sync_copy(buf_a, acc_sh.at[dst_v.at[j0]], add=True)
                j2 = jnp.minimum(j0 + 2, G - 1)
                pltpu.async_copy(tbl.at[src_v.at[j2]], buf_a, sem_a)
                pltpu.make_async_copy(tbl.at[src_v.at[j0 + 1]], buf_b,
                                      sem_b).wait()
                pltpu.sync_copy(buf_b, acc_sh.at[dst_v.at[j0 + 1]], add=True)
                return 0

            lax.fori_loop(0, G // 2, body, 0)
            pltpu.make_async_copy(tbl.at[src_v.at[0]], buf_a, sem_a).wait()
            return 0

        lax.fori_loop(0, NG, outer, 0)

    @pl.when(c == 0)
    def _():
        run(plo_hbm)

    @pl.when(c == 1)
    def _():
        run(phi_hbm)

    plsc.subcore_barrier()
    pltpu.sync_copy(acc_sh.at[pl.ds(s * STRIPE, STRIPE)],
                    out_hbm.at[pl.ds(c * NPAD + s * STRIPE, STRIPE)])


def _dense1_body(x_ref, w1_ref, dega_ref, degb_ref, plo_ref, phi_ref, dis_ref):
    i = pl.program_id(0)
    h = jnp.dot(x_ref[...], w1_ref[...], preferred_element_type=jnp.float32)
    deg = dega_ref[...][:, :1] + degb_ref[...][:, :1] + 1.0
    rid = lax.broadcasted_iota(jnp.int32, (BM, 1), 0) + i * BM
    dis = jnp.where(rid < N, lax.rsqrt(deg), 0.0)
    p = h * dis
    plo_ref[...] = p[:, :128]
    phi_ref[...] = p[:, 128:]
    dis_ref[...] = dis


def _dense1(x_pad, w1, deg_parts):
    return pl.pallas_call(
        _dense1_body,
        grid=(GRID,),
        in_specs=[
            pl.BlockSpec((BM, D_IN), lambda i: (i, 0)),
            pl.BlockSpec((D_IN, H), lambda i: (0, 0)),
            pl.BlockSpec((BM, 128), lambda i: (i, 0)),
            pl.BlockSpec((BM, 128), lambda i: (i + GRID, 0)),
        ],
        out_specs=[
            pl.BlockSpec((BM, 128), lambda i: (i, 0)),
            pl.BlockSpec((BM, 128), lambda i: (i, 0)),
            pl.BlockSpec((BM, 1), lambda i: (i, 0)),
        ],
        out_shape=[
            jax.ShapeDtypeStruct((NPAD, 128), jnp.float32),
            jax.ShapeDtypeStruct((NPAD, 128), jnp.float32),
            jax.ShapeDtypeStruct((NPAD, 1), jnp.float32),
        ],
    )(x_pad, w1, deg_parts, deg_parts)


def _dense2_body(alo_ref, ahi_ref, plo_ref, phi_ref, dis_ref, b1_ref, w2_ref,
                 p2lo_ref, p2hi_ref):
    dis = dis_ref[...]
    agg = jnp.concatenate(
        [alo_ref[...] + plo_ref[...], ahi_ref[...] + phi_ref[...]], axis=1)
    o = jnp.maximum(agg * dis + b1_ref[...], 0.0)
    h2 = jnp.dot(o, w2_ref[...], preferred_element_type=jnp.float32)
    p2 = h2 * dis
    p2lo_ref[...] = p2[:, :128]
    p2hi_ref[...] = p2[:, 128:]


def _dense2(agg, plo, phi, dis, b1, w2):
    return pl.pallas_call(
        _dense2_body,
        grid=(GRID,),
        in_specs=[
            pl.BlockSpec((BM, 128), lambda i: (i, 0)),
            pl.BlockSpec((BM, 128), lambda i: (i + GRID, 0)),
            pl.BlockSpec((BM, 128), lambda i: (i, 0)),
            pl.BlockSpec((BM, 128), lambda i: (i, 0)),
            pl.BlockSpec((BM, 1), lambda i: (i, 0)),
            pl.BlockSpec((1, H), lambda i: (0, 0)),
            pl.BlockSpec((H, H), lambda i: (0, 0)),
        ],
        out_specs=[
            pl.BlockSpec((BM, 128), lambda i: (i, 0)),
            pl.BlockSpec((BM, 128), lambda i: (i, 0)),
        ],
        out_shape=[
            jax.ShapeDtypeStruct((NPAD, 128), jnp.float32),
            jax.ShapeDtypeStruct((NPAD, 128), jnp.float32),
        ],
    )(agg, agg, plo, phi, dis, b1, w2)


def _dense3_body(alo_ref, ahi_ref, plo_ref, phi_ref, dis_ref, b2_ref,
                 wfc_ref, bfc_ref, out_ref):
    dis = dis_ref[...]
    agg = jnp.concatenate(
        [alo_ref[...] + plo_ref[...], ahi_ref[...] + phi_ref[...]], axis=1)
    o = jnp.maximum(agg * dis + b2_ref[...], 0.0)
    l = jnp.dot(o, wfc_ref[...], preferred_element_type=jnp.float32)
    l = l + bfc_ref[...]
    col = lax.broadcasted_iota(jnp.int32, (BM, 128), 1)
    valid = col < D_OUT
    m = jnp.max(jnp.where(valid, l, -1e30), axis=1, keepdims=True)
    e = jnp.where(valid, jnp.exp(l - m), 0.0)
    lse = m + jnp.log(jnp.sum(e, axis=1, keepdims=True))
    out_ref[...] = l - lse


def _dense3(agg, plo, phi, dis, b2, wfc_pad, bfc_pad):
    return pl.pallas_call(
        _dense3_body,
        grid=(GRID,),
        in_specs=[
            pl.BlockSpec((BM, 128), lambda i: (i, 0)),
            pl.BlockSpec((BM, 128), lambda i: (i + GRID, 0)),
            pl.BlockSpec((BM, 128), lambda i: (i, 0)),
            pl.BlockSpec((BM, 128), lambda i: (i, 0)),
            pl.BlockSpec((BM, 1), lambda i: (i, 0)),
            pl.BlockSpec((1, H), lambda i: (0, 0)),
            pl.BlockSpec((H, 128), lambda i: (0, 0)),
            pl.BlockSpec((1, 128), lambda i: (0, 0)),
        ],
        out_specs=pl.BlockSpec((BM, 128), lambda i: (i, 0)),
        out_shape=jax.ShapeDtypeStruct((NPAD, 128), jnp.float32),
    )(agg, agg, plo, phi, dis, b2, wfc_pad, bfc_pad)


def kernel(x, edge_index, W1, b1, W2, b2, Wfc, bfc):
    src = edge_index[0].astype(jnp.int32)
    dst = edge_index[1].astype(jnp.int32)
    fill = jnp.full((EPAD - E,), N, jnp.int32)
    src_g = jnp.concatenate([src, fill]).reshape(NSUB, C, CHUNK)
    dst_g = jnp.concatenate([dst, fill]).reshape(NSUB, C, CHUNK)
    x_pad = jnp.pad(x, ((0, NPAD - N), (0, 0)))
    ones128 = jnp.ones((CHUNK, 128), jnp.float32)
    z_big = jnp.zeros((NPAD, 128), jnp.float32)

    deg_parts = _deg_kernel(dst_g, ones128, z_big)
    plo, phi, dis = _dense1(x_pad, W1, deg_parts)
    agg1 = _agg_kernel(plo, phi, src_g, dst_g, z_big)
    p2lo, p2hi = _dense2(agg1, plo, phi, dis, b1.reshape(1, H), W2)
    agg2 = _agg_kernel(p2lo, p2hi, src_g, dst_g, z_big)
    wfc_pad = jnp.pad(Wfc, ((0, 0), (0, 128 - D_OUT)))
    bfc_pad = jnp.pad(bfc, (0, 128 - D_OUT)).reshape(1, 128)
    outp = _dense3(agg2, p2lo, p2hi, dis, b2.reshape(1, H), wfc_pad, bfc_pad)
    return outp[:N, :D_OUT]

# --- scband reference (transcript-rebuilt; emitter-appended) ---
"""Pipeline reference for scband-ray-type-gnn-86242943303888 (READ-ONLY COPY).

The authoritative reference and input builder live on the scoring server;
editing this copy changes nothing except your own understanding.
"""

import jax, jax.numpy as jnp
import numpy as np

N = 10000
E = 320000
D_IN = 128
H = 256
D_OUT = 3


def setup_inputs(seed: int = 0) -> dict:
    key = jax.random.key(seed)
    ks = jax.random.split(key, 8)
    x = jax.random.normal(ks[0], (N, D_IN), dtype=jnp.float32)
    edge_index = jax.random.randint(ks[1], (2, E), 0, N)
    W1 = jax.random.normal(ks[2], (D_IN, H), dtype=jnp.float32) * (1.0 / np.sqrt(D_IN))
    b1 = jnp.zeros((H,), dtype=jnp.float32)
    W2 = jax.random.normal(ks[3], (H, H), dtype=jnp.float32) * (1.0 / np.sqrt(H))
    b2 = jnp.zeros((H,), dtype=jnp.float32)
    Wfc = jax.random.normal(ks[4], (H, D_OUT), dtype=jnp.float32) * (1.0 / np.sqrt(H))
    bfc = jnp.zeros((D_OUT,), dtype=jnp.float32)
    return {"x": x, "edge_index": edge_index, "W1": W1, "b1": b1, "W2": W2, "b2": b2, "Wfc": Wfc, "bfc": bfc}


def _gcn_conv(x, src, dst, W, b):
    # PyG GCNConv (eval): h = x @ W; symmetric norm with self-loops; scatter-add; + bias
    n = x.shape[0]
    h = x @ W
    deg = jnp.zeros((n,), dtype=x.dtype).at[dst].add(1.0)
    dis = jnp.where(deg > 0, jax.lax.rsqrt(jnp.maximum(deg, 1e-12)), 0.0)
    norm = dis[src] * dis[dst]
    msg = h[src] * norm[:, None]
    out = jnp.zeros_like(h).at[dst].add(msg)
    return out + b


def reference(x, edge_index, W1, b1, W2, b2, Wfc, bfc):
    n = x.shape[0]
    loop = jnp.arange(n, dtype=edge_index.dtype)
    src = jnp.concatenate([edge_index[0], loop])
    dst = jnp.concatenate([edge_index[1], loop])
    h = _gcn_conv(x, src, dst, W1, b1)
    h = jax.nn.relu(h)
    # dropout p=0.3 is identity in eval mode
    h = _gcn_conv(h, src, dst, W2, b2)
    h = jax.nn.relu(h)
    out = h @ Wfc + bfc
    return jax.nn.log_softmax(out, axis=1)

if __name__ == "__main__":
    import jax
    _d = setup_inputs()
    print(jax.jit(kernel)(*tuple(_d.values())))

</pallas_src>

<mosaic_0001>
#map = affine_map<(d0, d1) -> (0, 0, 0)>
#map1 = affine_map<(d0, d1) -> (0, 0)>
module attributes {stable_mosaic.version = 14 : i64} {
  func.func @_deg_kernel(%arg0: i32, %arg1: i32, %arg2: memref<16x160x128xi32, #tpu.memory_space<hbm>>, %arg3: memref<128x128xf32, #tpu.memory_space<hbm>>, %arg4: memref<10240x128xf32, #tpu.memory_space<hbm>>, %arg5: memref<20480x128xf32, #tpu.memory_space<hbm>>, %arg6: memref<160x128xi32, #tpu.memory_space<vmem>>, %arg7: memref<128x128xf32, #tpu.memory_space<vmem>>, %arg8: memref<10240x128xf32, #tpu.memory_space<vmem_shared>>) attributes {dimension_semantics = [#tpu.dimension_semantics<core_parallel>, #tpu.dimension_semantics<subcore_parallel>], iteration_bounds = array<i64: 2, 16>, scalar_prefetch = 0 : i64, scratch_operands = 3 : i64, tpu.core_type = #tpu.core_type<sc_vector_subcore>, window_params = [{transform_indices = #map}, {transform_indices = #map1}, {transform_indices = #map1}, {transform_indices = #map1}]} {
    "tpu.region"() ({
      %run_scoped3A = tpu.sem_alloc : memref<!tpu.dma_semaphore, #tpu.memory_space<semaphore_mem>>
      %dma_start3A = arith.constant 0 : i32
      %dma_start3A_24 = arith.constant 0 : i32
      %dma_start3A_25 = tpu.memref_slice %arg2[%arg1, %dma_start3A, %dma_start3A_24] : memref<16x160x128xi32, #tpu.memory_space<hbm>> -> memref<1x160x128xi32, #tpu.memory_space<hbm>>
      %dma_start3A_26 = tpu.memref_squeeze %dma_start3A_25 : memref<1x160x128xi32, #tpu.memory_space<hbm>> -> memref<160x128xi32, #tpu.memory_space<hbm>>
      %dma_start3A_27 = arith.constant 0 : i32
      %dma_start3A_28 = arith.constant 0 : i32
      %dma_start3A_29 = tpu.memref_slice %arg2[%arg1, %dma_start3A_27, %dma_start3A_28] : memref<16x160x128xi32, #tpu.memory_space<hbm>> -> memref<1x160x128xi32, #tpu.memory_space<hbm>>
      %dma_start3A_30 = tpu.memref_squeeze %dma_start3A_29 : memref<1x160x128xi32, #tpu.memory_space<hbm>> -> memref<160x128xi32, #tpu.memory_space<hbm>>
      tpu.enqueue_dma source(%dma_start3A_30 : memref<160x128xi32, #tpu.memory_space<hbm>>) target(%arg6 : memref<160x128xi32, #tpu.memory_space<vmem>>) target_semaphore(%run_scoped3A : memref<!tpu.dma_semaphore, #tpu.memory_space<semaphore_mem>>)
      %dma_wait3A = arith.constant 0 : i32
      %dma_wait3A_31 = arith.constant 0 : i32
      %dma_wait3A_32 = tpu.memref_slice %arg2[%arg1, %dma_wait3A, %dma_wait3A_31] : memref<16x160x128xi32, #tpu.memory_space<hbm>> -> memref<1x160x128xi32, #tpu.memory_space<hbm>>
      %dma_wait3A_33 = tpu.memref_squeeze %dma_wait3A_32 : memref<1x160x128xi32, #tpu.memory_space<hbm>> -> memref<160x128xi32, #tpu.memory_space<hbm>>
      %dma_wait3A_34 = arith.constant 0 : i32
      %dma_wait3A_35 = arith.constant 0 : i32
      %dma_wait3A_36 = tpu.memref_slice %arg2[%arg1, %dma_wait3A_34, %dma_wait3A_35] : memref<16x160x128xi32, #tpu.memory_space<hbm>> -> memref<1x160x128xi32, #tpu.memory_space<hbm>>
      %dma_wait3A_37 = tpu.memref_squeeze %dma_wait3A_36 : memref<1x160x128xi32, #tpu.memory_space<hbm>> -> memref<160x128xi32, #tpu.memory_space<hbm>>
      tpu.wait_dma2 semaphore(%run_scoped3A : memref<!tpu.dma_semaphore, #tpu.memory_space<semaphore_mem>>) src(%dma_wait3A_37 : memref<160x128xi32, #tpu.memory_space<hbm>>) dst(%arg6 : memref<160x128xi32, #tpu.memory_space<vmem>>)
      tpu.yield
    }) : () -> ()
    "tpu.region"() ({
      %run_scoped3A = tpu.sem_alloc : memref<!tpu.dma_semaphore, #tpu.memory_space<semaphore_mem>>
      tpu.enqueue_dma source(%arg3 : memref<128x128xf32, #tpu.memory_space<hbm>>) target(%arg7 : memref<128x128xf32, #tpu.memory_space<vmem>>) target_semaphore(%run_scoped3A : memref<!tpu.dma_semaphore, #tpu.memory_space<semaphore_mem>>)
      tpu.wait_dma2 semaphore(%run_scoped3A : memref<!tpu.dma_semaphore, #tpu.memory_space<semaphore_mem>>) src(%arg3 : memref<128x128xf32, #tpu.memory_space<hbm>>) dst(%arg7 : memref<128x128xf32, #tpu.memory_space<vmem>>)
      tpu.yield
    }) : () -> ()
    %mul3A = arith.constant 640 : i32
    %mul3A_0 = arith.muli %arg1, %mul3A : i32
    %mul3A_1 = arith.constant 640 : i32
    %mul3A_2 = arith.muli %arg1, %mul3A_1 : i32
    "tpu.region"() ({
      %run_scoped3A = tpu.sem_alloc : memref<!tpu.dma_semaphore, #tpu.memory_space<semaphore_mem>>
      %dma_start3A = arith.constant 0 : i32
      %dma_start3A_24 = tpu.memref_slice %arg8[%mul3A_2, %dma_start3A] : memref<10240x128xf32, #tpu.memory_space<vmem_shared>> -> memref<640x128xf32, #tpu.memory_space<vmem_shared>>
      %dma_start3A_25 = arith.constant 0 : i32
      %dma_start3A_26 = tpu.memref_slice %arg4[%mul3A_0, %dma_start3A_25] : memref<10240x128xf32, #tpu.memory_space<hbm>> -> memref<640x128xf32, #tpu.memory_space<hbm>>
      tpu.enqueue_dma source(%dma_start3A_26 : memref<640x128xf32, #tpu.memory_space<hbm>>) target(%dma_start3A_24 : memref<640x128xf32, #tpu.memory_space<vmem_shared>>) target_semaphore(%run_scoped3A : memref<!tpu.dma_semaphore, #tpu.memory_space<semaphore_mem>>)
      %dma_wait3A = arith.constant 0 : i32
      %dma_wait3A_27 = tpu.memref_slice %arg8[%mul3A_2, %dma_wait3A] : memref<10240x128xf32, #tpu.memory_space<vmem_shared>> -> memref<640x128xf32, #tpu.memory_space<vmem_shared>>
      %dma_wait3A_28 = arith.constant 0 : i32
      %dma_wait3A_29 = tpu.memref_slice %arg4[%mul3A_0, %dma_wait3A_28] : memref<10240x128xf32, #tpu.memory_space<hbm>> -> memref<640x128xf32, #tpu.memory_space<hbm>>
      tpu.wait_dma2 semaphore(%run_scoped3A : memref<!tpu.dma_semaphore, #tpu.memory_space<semaphore_mem>>) src(%dma_wait3A_29 : memref<640x128xf32, #tpu.memory_space<hbm>>) dst(%dma_wait3A_27 : memref<640x128xf32, #tpu.memory_space<vmem_shared>>)
      tpu.yield
    }) : () -> ()
    %barrier3A = arith.constant 0 : index
    tpu.barrier barrier_id(%barrier3A)
    %mul3A_3 = arith.constant 80 : i32
    %mul3A_4 = arith.muli %arg0, %mul3A_3 : i32
    %add3A = arith.constant 80 : i32
    %add3A_5 = arith.addi %mul3A_4, %add3A : i32
    %while3A = arith.constant 0 : i32
    %while3A_6 = arith.subi %add3A_5, %mul3A_4 : i32
    %while3A_7 = arith.addi %mul3A_4, %while3A_6 : i32
    %while3A_8 = arith.constant 1 : i32
    %while3A_9 = arith.divsi %while3A_6, %while3A_8 : i32
    %while3A_10 = arith.muli %while3A_9, %while3A_8 : i32
    %while3A_11 = arith.addi %mul3A_4, %while3A_10 : i32
    %while3A_12 = arith.constant 1 : i32
    %while3A_13 = scf.for %while3A_24 = %mul3A_4 to %while3A_11 step %while3A_12 iter_args(%while3A_25 = %while3A) -> (i32)  : i32 {
      "tpu.region"() ({
        %run_scoped3A = tpu.sem_alloc : memref<!tpu.dma_semaphore, #tpu.memory_space<semaphore_mem>>
        %dma_start3A = arith.constant 0 : i32
        %dma_start3A_27 = tpu.memref_slice %arg6[%while3A_24, %dma_start3A] : memref<160x128xi32, #tpu.memory_space<vmem>> -> memref<1x128xi32, #tpu.memory_space<vmem>>
        %dma_start3A_28 = tpu.memref_squeeze %dma_start3A_27 : memref<1x128xi32, #tpu.memory_space<vmem>> -> memref<128xi32, #tpu.memory_space<vmem>>
        %dma_start3A_29 = arith.constant 0 : i32
        %dma_start3A_30 = arith.constant 0 : i32
        %dma_start3A_31 = tpu.memref_slice %arg8[%dma_start3A_29, %dma_start3A_30] : memref<10240x128xf32, #tpu.memory_space<vmem_shared>> -> memref<10240x128xf32, #tpu.memory_space<vmem_shared>>
        tpu.enqueue_indirect_dma source(%arg7 : memref<128x128xf32, #tpu.memory_space<vmem>>) target(%dma_start3A_31 : memref<10240x128xf32, #tpu.memory_space<vmem_shared>>) offsets(%dma_start3A_28 : memref<128xi32, #tpu.memory_space<vmem>>) semaphore(%run_scoped3A : memref<!tpu.dma_semaphore, #tpu.memory_space<semaphore_mem>>) {add = true}
        %dma_wait3A = arith.constant 0 : i32
        %dma_wait3A_32 = tpu.memref_slice %arg6[%while3A_24, %dma_wait3A] : memref<160x128xi32, #tpu.memory_space<vmem>> -> memref<1x128xi32, #tpu.memory_space<vmem>>
        %dma_wait3A_33 = tpu.memref_squeeze %dma_wait3A_32 : memref<1x128xi32, #tpu.memory_space<vmem>> -> memref<128xi32, #tpu.memory_space<vmem>>
        %dma_wait3A_34 = arith.constant 0 : i32
        %dma_wait3A_35 = arith.constant 0 : i32
        %dma_wait3A_36 = tpu.memref_slice %arg8[%dma_wait3A_34, %dma_wait3A_35] : memref<10240x128xf32, #tpu.memory_space<vmem_shared>> -> memref<10240x128xf32, #tpu.memory_space<vmem_shared>>
        tpu.wait_indirect_dma semaphore(%run_scoped3A : memref<!tpu.dma_semaphore, #tpu.memory_space<semaphore_mem>>) src(%arg7 : memref<128x128xf32, #tpu.memory_space<vmem>>) dst(%dma_wait3A_36 : memref<10240x128xf32, #tpu.memory_space<vmem_shared>>)
        tpu.yield
      }) : () -> ()
      %while3A_26 = arith.constant 0 : i32
      scf.yield %while3A_26 : i32
    }
    %while3A_14 = arith.constant 1 : i32
    %while3A_15 = scf.for %while3A_24 = %while3A_11 to %while3A_7 step %while3A_14 iter_args(%while3A_25 = %while3A_13) -> (i32)  : i32 {
      "tpu.region"() ({
        %run_scoped3A = tpu.sem_alloc : memref<!tpu.dma_semaphore, #tpu.memory_space<semaphore_mem>>
        %dma_start3A = arith.constant 0 : i32
        %dma_start3A_27 = tpu.memref_slice %arg6[%while3A_24, %dma_start3A] : memref<160x128xi32, #tpu.memory_space<vmem>> -> memref<1x128xi32, #tpu.memory_space<vmem>>
        %dma_start3A_28 = tpu.memref_squeeze %dma_start3A_27 : memref<1x128xi32, #tpu.memory_space<vmem>> -> memref<128xi32, #tpu.memory_space<vmem>>
        %dma_start3A_29 = arith.constant 0 : i32
        %dma_start3A_30 = arith.constant 0 : i32
        %dma_start3A_31 = tpu.memref_slice %arg8[%dma_start3A_29, %dma_start3A_30] : memref<10240x128xf32, #tpu.memory_space<vmem_shared>> -> memref<10240x128xf32, #tpu.memory_space<vmem_shared>>
        tpu.enqueue_indirect_dma source(%arg7 : memref<128x128xf32, #tpu.memory_space<vmem>>) target(%dma_start3A_31 : memref<10240x128xf32, #tpu.memory_space<vmem_shared>>) offsets(%dma_start3A_28 : memref<128xi32, #tpu.memory_space<vmem>>) semaphore(%run_scoped3A : memref<!tpu.dma_semaphore, #tpu.memory_space<semaphore_mem>>) {add = true}
        %dma_wait3A = arith.constant 0 : i32
        %dma_wait3A_32 = tpu.memref_slice %arg6[%while3A_24, %dma_wait3A] : memref<160x128xi32, #tpu.memory_space<vmem>> -> memref<1x128xi32, #tpu.memory_space<vmem>>
        %dma_wait3A_33 = tpu.memref_squeeze %dma_wait3A_32 : memref<1x128xi32, #tpu.memory_space<vmem>> -> memref<128xi32, #tpu.memory_space<vmem>>
        %dma_wait3A_34 = arith.constant 0 : i32
        %dma_wait3A_35 = arith.constant 0 : i32
        %dma_wait3A_36 = tpu.memref_slice %arg8[%dma_wait3A_34, %dma_wait3A_35] : memref<10240x128xf32, #tpu.memory_space<vmem_shared>> -> memref<10240x128xf32, #tpu.memory_space<vmem_shared>>
        tpu.wait_indirect_dma semaphore(%run_scoped3A : memref<!tpu.dma_semaphore, #tpu.memory_space<semaphore_mem>>) src(%arg7 : memref<128x128xf32, #tpu.memory_space<vmem>>) dst(%dma_wait3A_36 : memref<10240x128xf32, #tpu.memory_space<vmem_shared>>)
        tpu.yield
      }) : () -> ()
      %while3A_26 = arith.constant 0 : i32
      scf.yield %while3A_26 : i32
    }
    %barrier3A_16 = arith.constant 0 : index
    tpu.barrier barrier_id(%barrier3A_16)
    %mul3A_17 = arith.constant 640 : i32
    %mul3A_18 = arith.muli %arg1, %mul3A_17 : i32
    %mul3A_19 = arith.constant 10240 : i32
    %mul3A_20 = arith.muli %arg0, %mul3A_19 : i32
    %mul3A_21 = arith.constant 640 : i32
    %mul3A_22 = arith.muli %arg1, %mul3A_21 : i32
    %add3A_23 = arith.addi %mul3A_20, %mul3A_22 : i32
    "tpu.region"() ({
      %run_scoped3A = tpu.sem_alloc : memref<!tpu.dma_semaphore, #tpu.memory_space<semaphore_mem>>
      %dma_start3A = arith.constant 0 : i32
      %dma_start3A_24 = tpu.memref_slice %arg5[%add3A_23, %dma_start3A] : memref<20480x128xf32, #tpu.memory_space<hbm>> -> memref<640x128xf32, #tpu.memory_space<hbm>>
      %dma_start3A_25 = arith.constant 0 : i32
      %dma_start3A_26 = tpu.memref_slice %arg8[%mul3A_18, %dma_start3A_25] : memref<10240x128xf32, #tpu.memory_space<vmem_shared>> -> memref<640x128xf32, #tpu.memory_space<vmem_shared>>
      tpu.enqueue_dma source(%dma_start3A_26 : memref<640x128xf32, #tpu.memory_space<vmem_shared>>) target(%dma_start3A_24 : memref<640x128xf32, #tpu.memory_space<hbm>>) target_semaphore(%run_scoped3A : memref<!tpu.dma_semaphore, #tpu.memory_space<semaphore_mem>>)
      %dma_wait3A = arith.constant 0 : i32
      %dma_wait3A_27 = tpu.memref_slice %arg5[%add3A_23, %dma_wait3A] : memref<20480x128xf32, #tpu.memory_space<hbm>> -> memref<640x128xf32, #tpu.memory_space<hbm>>
      %dma_wait3A_28 = arith.constant 0 : i32
      %dma_wait3A_29 = tpu.memref_slice %arg8[%mul3A_18, %dma_wait3A_28] : memref<10240x128xf32, #tpu.memory_space<vmem_shared>> -> memref<640x128xf32, #tpu.memory_space<vmem_shared>>
      tpu.wait_dma2 semaphore(%run_scoped3A : memref<!tpu.dma_semaphore, #tpu.memory_space<semaphore_mem>>) src(%dma_wait3A_29 : memref<640x128xf32, #tpu.memory_space<vmem_shared>>) dst(%dma_wait3A_27 : memref<640x128xf32, #tpu.memory_space<hbm>>)
      tpu.yield
    }) : () -> ()
    return
  }
}

#map = affine_map<(d0, d1) -> (0, 0)>
#map1 = affine_map<(d0, d1) -> (0, 0, 0)>
module attributes {stable_mosaic.version = 14 : i64} {
  func.func @_agg_kernel(%arg0: i32, %arg1: i32, %arg2: memref<10240x128xf32, #tpu.memory_space<hbm>>, %arg3: memref<10240x128xf32, #tpu.memory_space<hbm>>, %arg4: memref<16x160x128xi32, #tpu.memory_space<hbm>>, %arg5: memref<16x160x128xi32, #tpu.memory_space<hbm>>, %arg6: memref<10240x128xf32, #tpu.memory_space<hbm>>, %arg7: memref<20480x128xf32, #tpu.memory_space<hbm>>, %arg8: memref<32x128xi32, #tpu.memory_space<vmem>>, %arg9: memref<32x128xi32, #tpu.memory_space<vmem>>, %arg10: memref<128x128xf32, #tpu.memory_space<vmem>>, %arg11: memref<128x128xf32, #tpu.memory_space<vmem>>, %arg12: memref<10240x128xf32, #tpu.memory_space<vmem_shared>>, %arg13: memref<!tpu.dma_semaphore, #tpu.memory_space<semaphore_mem>>, %arg14: memref<!tpu.dma_semaphore, #tpu.memory_space<semaphore_mem>>) attributes {dimension_semantics = [#tpu.dimension_semantics<core_parallel>, #tpu.dimension_semantics<subcore_parallel>], iteration_bounds = array<i64: 2, 16>, scalar_prefetch = 0 : i64, scratch_operands = 7 : i64, tpu.core_type = #tpu.core_type<sc_vector_subcore>, window_params = [{transform_indices = #map}, {transform_indices = #map}, {transform_indices = #map1}, {transform_indices = #map1}, {transform_indices = #map}, {transform_indices = #map}]} {
    %mul3A = arith.constant 640 : i32
    %mul3A_0 = arith.muli %arg1, %mul3A : i32
    %mul3A_1 = arith.constant 640 : i32
    %mul3A_2 = arith.muli %arg1, %mul3A_1 : i32
    "tpu.region"() ({
      %run_scoped3A = tpu.sem_alloc : memref<!tpu.dma_semaphore, #tpu.memory_space<semaphore_mem>>
      %dma_start3A = arith.constant 0 : i32
      %dma_start3A_17 = tpu.memref_slice %arg12[%mul3A_2, %dma_start3A] : memref<10240x128xf32, #tpu.memory_space<vmem_shared>> -> memref<640x128xf32, #tpu.memory_space<vmem_shared>>
      %dma_start3A_18 = arith.constant 0 : i32
      %dma_start3A_19 = tpu.memref_slice %arg6[%mul3A_0, %dma_start3A_18] : memref<10240x128xf32, #tpu.memory_space<hbm>> -> memref<640x128xf32, #tpu.memory_space<hbm>>
      tpu.enqueue_dma source(%dma_start3A_19 : memref<640x128xf32, #tpu.memory_space<hbm>>) target(%dma_start3A_17 : memref<640x128xf32, #tpu.memory_space<vmem_shared>>) target_semaphore(%run_scoped3A : memref<!tpu.dma_semaphore, #tpu.memory_space<semaphore_mem>>)
      %dma_wait3A = arith.constant 0 : i32
      %dma_wait3A_20 = tpu.memref_slice %arg12[%mul3A_2, %dma_wait3A] : memref<10240x128xf32, #tpu.memory_space<vmem_shared>> -> memref<640x128xf32, #tpu.memory_space<vmem_shared>>
      %dma_wait3A_21 = arith.constant 0 : i32
      %dma_wait3A_22 = tpu.memref_slice %arg6[%mul3A_0, %dma_wait3A_21] : memref<10240x128xf32, #tpu.memory_space<hbm>> -> memref<640x128xf32, #tpu.memory_space<hbm>>
      tpu.wait_dma2 semaphore(%run_scoped3A : memref<!tpu.dma_semaphore, #tpu.memory_space<semaphore_mem>>) src(%dma_wait3A_22 : memref<640x128xf32, #tpu.memory_space<hbm>>) dst(%dma_wait3A_20 : memref<640x128xf32, #tpu.memory_space<vmem_shared>>)
      tpu.yield
    }) : () -> ()
    %barrier3A = arith.constant 0 : index
    tpu.barrier barrier_id(%barrier3A)
    %eq3A = arith.constant 0 : i32
    %eq3A_3 = arith.cmpi eq, %arg0, %eq3A : i32
    %convert_element_type3A = arith.extui %eq3A_3 : i1 to i32
    %cond3A = arith.constant 0 : i32
    %cond3A_4 = arith.cmpi ne, %convert_element_type3A, %cond3A : i32
    scf.if %cond3A_4 {
      %scan3A = arith.constant 0 : i32
      %scan3A_17 = arith.constant 0 : i32
      %scan3A_18 = arith.constant 5 : i32
      %scan3A_19 = arith.addi %scan3A_17, %scan3A_18 : i32
      %scan3A_20 = arith.constant 1 : i32
      %scan3A_21 = scf.for %scan3A_23 = %scan3A_17 to %scan3A_19 step %scan3A_20 iter_args(%scan3A_24 = %scan3A) -> (i32)  : i32 {
        %mul3A_25 = arith.constant 32 : i32
        %mul3A_26 = arith.muli %scan3A_23, %mul3A_25 : i32
        "tpu.region"() ({
          %run_scoped3A = tpu.sem_alloc : memref<!tpu.dma_semaphore, #tpu.memory_space<semaphore_mem>>
          %dma_start3A_49 = arith.constant 0 : i32
          %dma_start3A_50 = tpu.memref_slice %arg4[%arg1, %mul3A_26, %dma_start3A_49] : memref<16x160x128xi32, #tpu.memory_space<hbm>> -> memref<1x32x128xi32, #tpu.memory_space<hbm>>
          %dma_start3A_51 = tpu.memref_squeeze %dma_start3A_50 : memref<1x32x128xi32, #tpu.memory_space<hbm>> -> memref<32x128xi32, #tpu.memory_space<hbm>>
          %dma_start3A_52 = arith.constant 0 : i32
          %dma_start3A_53 = tpu.memref_slice %arg4[%arg1, %mul3A_26, %dma_start3A_52] : memref<16x160x128xi32, #tpu.memory_space<hbm>> -> memref<1x32x128xi32, #tpu.memory_space<hbm>>
          %dma_start3A_54 = tpu.memref_squeeze %dma_start3A_53 : memref<1x32x128xi32, #tpu.memory_space<hbm>> -> memref<32x128xi32, #tpu.memory_space<hbm>>
          tpu.enqueue_dma source(%dma_start3A_54 : memref<32x128xi32, #tpu.memory_space<hbm>>) target(%arg8 : memref<32x128xi32, #tpu.memory_space<vmem>>) target_semaphore(%run_scoped3A : memref<!tpu.dma_semaphore, #tpu.memory_space<semaphore_mem>>)
          %dma_wait3A_55 = arith.constant 0 : i32
          %dma_wait3A_56 = tpu.memref_slice %arg4[%arg1, %mul3A_26, %dma_wait3A_55] : memref<16x160x128xi32, #tpu.memory_space<hbm>> -> memref<1x32x128xi32, #tpu.memory_space<hbm>>
          %dma_wait3A_57 = tpu.memref_squeeze %dma_wait3A_56 : memref<1x32x128xi32, #tpu.memory_space<hbm>> -> memref<32x128xi32, #tpu.memory_space<hbm>>
          %dma_wait3A_58 = arith.constant 0 : i32
          %dma_wait3A_59 = tpu.memref_slice %arg4[%arg1, %mul3A_26, %dma_wait3A_58] : memref<16x160x128xi32, #tpu.memory_space<hbm>> -> memref<1x32x128xi32, #tpu.memory_space<hbm>>
          %dma_wait3A_60 = tpu.memref_squeeze %dma_wait3A_59 : memref<1x32x128xi32, #tpu.memory_space<hbm>> -> memref<32x128xi32, #tpu.memory_space<hbm>>
          tpu.wait_dma2 semaphore(%run_scoped3A : memref<!tpu.dma_semaphore, #tpu.memory_space<semaphore_mem>>) src(%dma_wait3A_60 : memref<32x128xi32, #tpu.memory_space<hbm>>) dst(%arg8 : memref<32x128xi32, #tpu.memory_space<vmem>>)
          tpu.yield
        }) : () -> ()
        %mul3A_27 = arith.constant 32 : i32
        %mul3A_28 = arith.muli %scan3A_23, %mul3A_27 : i32
        "tpu.region"() ({
          %run_scoped3A = tpu.sem_alloc : memref<!tpu.dma_semaphore, #tpu.memory_space<semaphore_mem>>
          %dma_start3A_49 = arith.constant 0 : i32
          %dma_start3A_50 = tpu.memref_slice %arg5[%arg1, %mul3A_28, %dma_start3A_49] : memref<16x160x128xi32, #tpu.memory_space<hbm>> -> memref<1x32x128xi32, #tpu.memory_space<hbm>>
          %dma_start3A_51 = tpu.memref_squeeze %dma_start3A_50 : memref<1x32x128xi32, #tpu.memory_space<hbm>> -> memref<32x128xi32, #tpu.memory_space<hbm>>
          %dma_start3A_52 = arith.constant 0 : i32
          %dma_start3A_53 = tpu.memref_slice %arg5[%arg1, %mul3A_28, %dma_start3A_52] : memref<16x160x128xi32, #tpu.memory_space<hbm>> -> memref<1x32x128xi32, #tpu.memory_space<hbm>>
          %dma_start3A_54 = tpu.memref_squeeze %dma_start3A_53 : memref<1x32x128xi32, #tpu.memory_space<hbm>> -> memref<32x128xi32, #tpu.memory_space<hbm>>
          tpu.enqueue_dma source(%dma_start3A_54 : memref<32x128xi32, #tpu.memory_space<hbm>>) target(%arg9 : memref<32x128xi32, #tpu.memory_space<vmem>>) target_semaphore(%run_scoped3A : memref<!tpu.dma_semaphore, #tpu.memory_space<semaphore_mem>>)
          %dma_wait3A_55 = arith.constant 0 : i32
          %dma_wait3A_56 = tpu.memref_slice %arg5[%arg1, %mul3A_28, %dma_wait3A_55] : memref<16x160x128xi32, #tpu.memory_space<hbm>> -> memref<1x32x128xi32, #tpu.memory_space<hbm>>
          %dma_wait3A_57 = tpu.memref_squeeze %dma_wait3A_56 : memref<1x32x128xi32, #tpu.memory_space<hbm>> -> memref<32x128xi32, #tpu.memory_space<hbm>>
          %dma_wait3A_58 = arith.constant 0 : i32
          %dma_wait3A_59 = tpu.memref_slice %arg5[%arg1, %mul3A_28, %dma_wait3A_58] : memref<16x160x128xi32, #tpu.memory_space<hbm>> -> memref<1x32x128xi32, #tpu.memory_space<hbm>>
          %dma_wait3A_60 = tpu.memref_squeeze %dma_wait3A_59 : memref<1x32x128xi32, #tpu.memory_space<hbm>> -> memref<32x128xi32, #tpu.memory_space<hbm>>
          tpu.wait_dma2 semaphore(%run_scoped3A : memref<!tpu.dma_semaphore, #tpu.memory_space<semaphore_mem>>) src(%dma_wait3A_60 : memref<32x128xi32, #tpu.memory_space<hbm>>) dst(%arg9 : memref<32x128xi32, #tpu.memory_space<vmem>>)
          tpu.yield
        }) : () -> ()
        %dma_start3A = arith.constant 0 : i32
        %dma_start3A_29 = arith.constant 0 : i32
        %dma_start3A_30 = tpu.memref_slice %arg8[%dma_start3A, %dma_start3A_29] : memref<32x128xi32, #tpu.memory_space<vmem>> -> memref<1x128xi32, #tpu.memory_space<vmem>>
        %dma_start3A_31 = tpu.memref_squeeze %dma_start3A_30 : memref<1x128xi32, #tpu.memory_space<vmem>> -> memref<128xi32, #tpu.memory_space<vmem>>
        %dma_start3A_32 = arith.constant 0 : i32
        %dma_start3A_33 = arith.constant 0 : i32
        %dma_start3A_34 = tpu.memref_slice %arg2[%dma_start3A_32, %dma_start3A_33] : memref<10240x128xf32, #tpu.memory_space<hbm>> -> memref<10240x128xf32, #tpu.memory_space<hbm>>
        tpu.enqueue_indirect_dma source(%dma_start3A_34 : memref<10240x128xf32, #tpu.memory_space<hbm>>) target(%arg10 : memref<128x128xf32, #tpu.memory_space<vmem>>) offsets(%dma_start3A_31 : memref<128xi32, #tpu.memory_space<vmem>>) semaphore(%arg13 : memref<!tpu.dma_semaphore, #tpu.memory_space<semaphore_mem>>)
        %scan3A_35 = arith.constant 0 : i32
        %scan3A_36 = arith.constant 0 : i32
        %scan3A_37 = arith.constant 16 : i32
        %scan3A_38 = arith.addi %scan3A_36, %scan3A_37 : i32
        %scan3A_39 = arith.constant 1 : i32
        %scan3A_40 = scf.for %scan3A_49 = %scan3A_36 to %scan3A_38 step %scan3A_39 iter_args(%scan3A_50 = %scan3A_35) -> (i32)  : i32 {
          %mul3A_51 = arith.constant 2 : i32
          %mul3A_52 = arith.muli %mul3A_51, %scan3A_49 : i32
          %add3A_53 = arith.constant 1 : i32
          %add3A_54 = arith.addi %mul3A_52, %add3A_53 : i32
          %dma_start3A_55 = arith.constant 0 : i32
          %dma_start3A_56 = tpu.memref_slice %arg8[%add3A_54, %dma_start3A_55] : memref<32x128xi32, #tpu.memory_space<vmem>> -> memref<1x128xi32, #tpu.memory_space<vmem>>
          %dma_start3A_57 = tpu.memref_squeeze %dma_start3A_56 : memref<1x128xi32, #tpu.memory_space<vmem>> -> memref<128xi32, #tpu.memory_space<vmem>>
          %dma_start3A_58 = arith.constant 0 : i32
          %dma_start3A_59 = arith.constant 0 : i32
          %dma_start3A_60 = tpu.memref_slice %arg2[%dma_start3A_58, %dma_start3A_59] : memref<10240x128xf32, #tpu.memory_space<hbm>> -> memref<10240x128xf32, #tpu.memory_space<hbm>>
          tpu.enqueue_indirect_dma source(%dma_start3A_60 : memref<10240x128xf32, #tpu.memory_space<hbm>>) target(%arg11 : memref<128x128xf32, #tpu.memory_space<vmem>>) offsets(%dma_start3A_57 : memref<128xi32, #tpu.memory_space<vmem>>) semaphore(%arg14 : memref<!tpu.dma_semaphore, #tpu.memory_space<semaphore_mem>>)
          %dma_wait3A_61 = arith.constant 0 : i32
          %dma_wait3A_62 = tpu.memref_slice %arg8[%mul3A_52, %dma_wait3A_61] : memref<32x128xi32, #tpu.memory_space<vmem>> -> memref<1x128xi32, #tpu.memory_space<vmem>>
          %dma_wait3A_63 = tpu.memref_squeeze %dma_wait3A_62 : memref<1x128xi32, #tpu.memory_space<vmem>> -> memref<128xi32, #tpu.memory_space<vmem>>
          %dma_wait3A_64 = arith.constant 0 : i32
          %dma_wait3A_65 = arith.constant 0 : i32
          %dma_wait3A_66 = tpu.memref_slice %arg2[%dma_wait3A_64, %dma_wait3A_65] : memref<10240x128xf32, #tpu.memory_space<hbm>> -> memref<10240x128xf32, #tpu.memory_space<hbm>>
          tpu.wait_indirect_dma semaphore(%arg13 : memref<!tpu.dma_semaphore, #tpu.memory_space<semaphore_mem>>) src(%dma_wait3A_66 : memref<10240x128xf32, #tpu.memory_space<hbm>>) dst(%arg10 : memref<128x128xf32, #tpu.memory_space<vmem>>)
          "tpu.region"() ({
            %run_scoped3A = tpu.sem_alloc : memref<!tpu.dma_semaphore, #tpu.memory_space<semaphore_mem>>
            %dma_start3A_87 = arith.constant 0 : i32
            %dma_start3A_88 = tpu.memref_slice %arg9[%mul3A_52, %dma_start3A_87] : memref<32x128xi32, #tpu.memory_space<vmem>> -> memref<1x128xi32, #tpu.memory_space<vmem>>
            %dma_start3A_89 = tpu.memref_squeeze %dma_start3A_88 : memref<1x128xi32, #tpu.memory_space<vmem>> -> memref<128xi32, #tpu.memory_space<vmem>>
            %dma_start3A_90 = arith.constant 0 : i32
            %dma_start3A_91 = arith.constant 0 : i32
            %dma_start3A_92 = tpu.memref_slice %arg12[%dma_start3A_90, %dma_start3A_91] : memref<10240x128xf32, #tpu.memory_space<vmem_shared>> -> memref<10240x128xf32, #tpu.memory_space<vmem_shared>>
            tpu.enqueue_indirect_dma source(%arg10 : memref<128x128xf32, #tpu.memory_space<vmem>>) target(%dma_start3A_92 : memref<10240x128xf32, #tpu.memory_space<vmem_shared>>) offsets(%dma_start3A_89 : memref<128xi32, #tpu.memory_space<vmem>>) semaphore(%run_scoped3A : memref<!tpu.dma_semaphore, #tpu.memory_space<semaphore_mem>>) {add = true}
            %dma_wait3A_93 = arith.constant 0 : i32
            %dma_wait3A_94 = tpu.memref_slice %arg9[%mul3A_52, %dma_wait3A_93] : memref<32x128xi32, #tpu.memory_space<vmem>> -> memref<1x128xi32, #tpu.memory_space<vmem>>
            %dma_wait3A_95 = tpu.memref_squeeze %dma_wait3A_94 : memref<1x128xi32, #tpu.memory_space<vmem>> -> memref<128xi32, #tpu.memory_space<vmem>>
            %dma_wait3A_96 = arith.constant 0 : i32
            %dma_wait3A_97 = arith.constant 0 : i32
            %dma_wait3A_98 = tpu.memref_slice %arg12[%dma_wait3A_96, %dma_wait3A_97] : memref<10240x128xf32, #tpu.memory_space<vmem_shared>> -> memref<10240x128xf32, #tpu.memory_space<vmem_shared>>
            tpu.wait_indirect_dma semaphore(%run_scoped3A : memref<!tpu.dma_semaphore, #tpu.memory_space<semaphore_mem>>) src(%arg10 : memref<128x128xf32, #tpu.memory_space<vmem>>) dst(%dma_wait3A_98 : memref<10240x128xf32, #tpu.memory_space<vmem_shared>>)
            tpu.yield
          }) : () -> ()
          %add3A_67 = arith.constant 2 : i32
          %add3A_68 = arith.addi %mul3A_52, %add3A_67 : i32
          %min3A = arith.constant 31 : i32
          %min3A_69 = arith.minsi %add3A_68, %min3A : i32
          %dma_start3A_70 = arith.constant 0 : i32
          %dma_start3A_71 = tpu.memref_slice %arg8[%min3A_69, %dma_start3A_70] : memref<32x128xi32, #tpu.memory_space<vmem>> -> memref<1x128xi32, #tpu.memory_space<vmem>>
          %dma_start3A_72 = tpu.memref_squeeze %dma_start3A_71 : memref<1x128xi32, #tpu.memory_space<vmem>> -> memref<128xi32, #tpu.memory_space<vmem>>
          %dma_start3A_73 = arith.constant 0 : i32
          %dma_start3A_74 = arith.constant 0 : i32
          %dma_start3A_75 = tpu.memref_slice %arg2[%dma_start3A_73, %dma_start3A_74] : memref<10240x128xf32, #tpu.memory_space<hbm>> -> memref<10240x128xf32, #tpu.memory_space<hbm>>
          tpu.enqueue_indirect_dma source(%dma_start3A_75 : memref<10240x128xf32, #tpu.memory_space<hbm>>) target(%arg10 : memref<128x128xf32, #tpu.memory_space<vmem>>) offsets(%dma_start3A_72 : memref<128xi32, #tpu.memory_space<vmem>>) semaphore(%arg13 : memref<!tpu.dma_semaphore, #tpu.memory_space<semaphore_mem>>)
          %add3A_76 = arith.constant 1 : i32
          %add3A_77 = arith.addi %mul3A_52, %add3A_76 : i32
          %dma_wait3A_78 = arith.constant 0 : i32
          %dma_wait3A_79 = tpu.memref_slice %arg8[%add3A_77, %dma_wait3A_78] : memref<32x128xi32, #tpu.memory_space<vmem>> -> memref<1x128xi32, #tpu.memory_space<vmem>>
          %dma_wait3A_80 = tpu.memref_squeeze %dma_wait3A_79 : memref<1x128xi32, #tpu.memory_space<vmem>> -> memref<128xi32, #tpu.memory_space<vmem>>
          %dma_wait3A_81 = arith.constant 0 : i32
          %dma_wait3A_82 = arith.constant 0 : i32
          %dma_wait3A_83 = tpu.memref_slice %arg2[%dma_wait3A_81, %dma_wait3A_82] : memref<10240x128xf32, #tpu.memory_space<hbm>> -> memref<10240x128xf32, #tpu.memory_space<hbm>>
          tpu.wait_indirect_dma semaphore(%arg14 : memref<!tpu.dma_semaphore, #tpu.memory_space<semaphore_mem>>) src(%dma_wait3A_83 : memref<10240x128xf32, #tpu.memory_space<hbm>>) dst(%arg11 : memref<128x128xf32, #tpu.memory_space<vmem>>)
          %add3A_84 = arith.constant 1 : i32
          %add3A_85 = arith.addi %mul3A_52, %add3A_84 : i32
          "tpu.region"() ({
            %run_scoped3A = tpu.sem_alloc : memref<!tpu.dma_semaphore, #tpu.memory_space<semaphore_mem>>
            %dma_start3A_87 = arith.constant 0 : i32
            %dma_start3A_88 = tpu.memref_slice %arg9[%add3A_85, %dma_start3A_87] : memref<32x128xi32, #tpu.memory_space<vmem>> -> memref<1x128xi32, #tpu.memory_space<vmem>>
            %dma_start3A_89 = tpu.memref_squeeze %dma_start3A_88 : memref<1x128xi32, #tpu.memory_space<vmem>> -> memref<128xi32, #tpu.memory_space<vmem>>
            %dma_start3A_90 = arith.constant 0 : i32
            %dma_start3A_91 = arith.constant 0 : i32
            %dma_start3A_92 = tpu.memref_slice %arg12[%dma_start3A_90, %dma_start3A_91] : memref<10240x128xf32, #tpu.memory_space<vmem_shared>> -> memref<10240x128xf32, #tpu.memory_space<vmem_shared>>
            tpu.enqueue_indirect_dma source(%arg11 : memref<128x128xf32, #tpu.memory_space<vmem>>) target(%dma_start3A_92 : memref<10240x128xf32, #tpu.memory_space<vmem_shared>>) offsets(%dma_start3A_89 : memref<128xi32, #tpu.memory_space<vmem>>) semaphore(%run_scoped3A : memref<!tpu.dma_semaphore, #tpu.memory_space<semaphore_mem>>) {add = true}
            %dma_wait3A_93 = arith.constant 0 : i32
            %dma_wait3A_94 = tpu.memref_slice %arg9[%add3A_85, %dma_wait3A_93] : memref<32x128xi32, #tpu.memory_space<vmem>> -> memref<1x128xi32, #tpu.memory_space<vmem>>
            %dma_wait3A_95 = tpu.memref_squeeze %dma_wait3A_94 : memref<1x128xi32, #tpu.memory_space<vmem>> -> memref<128xi32, #tpu.memory_space<vmem>>
            %dma_wait3A_96 = arith.constant 0 : i32
            %dma_wait3A_97 = arith.constant 0 : i32
            %dma_wait3A_98 = tpu.memref_slice %arg12[%dma_wait3A_96, %dma_wait3A_97] : memref<10240x128xf32, #tpu.memory_space<vmem_shared>> -> memref<10240x128xf32, #tpu.memory_space<vmem_shared>>
            tpu.wait_indirect_dma semaphore(%run_scoped3A : memref<!tpu.dma_semaphore, #tpu.memory_space<semaphore_mem>>) src(%arg11 : memref<128x128xf32, #tpu.memory_space<vmem>>) dst(%dma_wait3A_98 : memref<10240x128xf32, #tpu.memory_space<vmem_shared>>)
            tpu.yield
          }) : () -> ()
          %scan3A_86 = arith.constant 0 : i32
          scf.yield %scan3A_86 : i32
        }
        %scan3A_41 = arith.constant 16 : i32
        %dma_wait3A = arith.constant 0 : i32
        %dma_wait3A_42 = arith.constant 0 : i32
        %dma_wait3A_43 = tpu.memref_slice %arg8[%dma_wait3A, %dma_wait3A_42] : memref<32x128xi32, #tpu.memory_space<vmem>> -> memref<1x128xi32, #tpu.memory_space<vmem>>
        %dma_wait3A_44 = tpu.memref_squeeze %dma_wait3A_43 : memref<1x128xi32, #tpu.memory_space<vmem>> -> memref<128xi32, #tpu.memory_space<vmem>>
        %dma_wait3A_45 = arith.constant 0 : i32
        %dma_wait3A_46 = arith.constant 0 : i32
        %dma_wait3A_47 = tpu.memref_slice %arg2[%dma_wait3A_45, %dma_wait3A_46] : memref<10240x128xf32, #tpu.memory_space<hbm>> -> memref<10240x128xf32, #tpu.memory_space<hbm>>
        tpu.wait_indirect_dma semaphore(%arg13 : memref<!tpu.dma_semaphore, #tpu.memory_space<semaphore_mem>>) src(%dma_wait3A_47 : memref<10240x128xf32, #tpu.memory_space<hbm>>) dst(%arg10 : memref<128x128xf32, #tpu.memory_space<vmem>>)
        %scan3A_48 = arith.constant 0 : i32
        scf.yield %scan3A_48 : i32
      }
      %scan3A_22 = arith.constant 5 : i32
    } else {
    }
    %eq3A_5 = arith.constant 1 : i32
    %eq3A_6 = arith.cmpi eq, %arg0, %eq3A_5 : i32
    %convert_element_type3A_7 = arith.extui %eq3A_6 : i1 to i32
    %cond3A_8 = arith.constant 0 : i32
    %cond3A_9 = arith.cmpi ne, %convert_element_type3A_7, %cond3A_8 : i32
    scf.if %cond3A_9 {
      %scan3A = arith.constant 0 : i32
      %scan3A_17 = arith.constant 0 : i32
      %scan3A_18 = arith.constant 5 : i32
      %scan3A_19 = arith.addi %scan3A_17, %scan3A_18 : i32
      %scan3A_20 = arith.constant 1 : i32
      %scan3A_21 = scf.for %scan3A_23 = %scan3A_17 to %scan3A_19 step %scan3A_20 iter_args(%scan3A_24 = %scan3A) -> (i32)  : i32 {
        %mul3A_25 = arith.constant 32 : i32
        %mul3A_26 = arith.muli %scan3A_23, %mul3A_25 : i32
        "tpu.region"() ({
          %run_scoped3A = tpu.sem_alloc : memref<!tpu.dma_semaphore, #tpu.memory_space<semaphore_mem>>
          %dma_start3A_49 = arith.constant 0 : i32
          %dma_start3A_50 = tpu.memref_slice %arg4[%arg1, %mul3A_26, %dma_start3A_49] : memref<16x160x128xi32, #tpu.memory_space<hbm>> -> memref<1x32x128xi32, #tpu.memory_space<hbm>>
          %dma_start3A_51 = tpu.memref_squeeze %dma_start3A_50 : memref<1x32x128xi32, #tpu.memory_space<hbm>> -> memref<32x128xi32, #tpu.memory_space<hbm>>
          %dma_start3A_52 = arith.constant 0 : i32
          %dma_start3A_53 = tpu.memref_slice %arg4[%arg1, %mul3A_26, %dma_start3A_52] : memref<16x160x128xi32, #tpu.memory_space<hbm>> -> memref<1x32x128xi32, #tpu.memory_space<hbm>>
          %dma_start3A_54 = tpu.memref_squeeze %dma_start3A_53 : memref<1x32x128xi32, #tpu.memory_space<hbm>> -> memref<32x128xi32, #tpu.memory_space<hbm>>
          tpu.enqueue_dma source(%dma_start3A_54 : memref<32x128xi32, #tpu.memory_space<hbm>>) target(%arg8 : memref<32x128xi32, #tpu.memory_space<vmem>>) target_semaphore(%run_scoped3A : memref<!tpu.dma_semaphore, #tpu.memory_space<semaphore_mem>>)
          %dma_wait3A_55 = arith.constant 0 : i32
          %dma_wait3A_56 = tpu.memref_slice %arg4[%arg1, %mul3A_26, %dma_wait3A_55] : memref<16x160x128xi32, #tpu.memory_space<hbm>> -> memref<1x32x128xi32, #tpu.memory_space<hbm>>
          %dma_wait3A_57 = tpu.memref_squeeze %dma_wait3A_56 : memref<1x32x128xi32, #tpu.memory_space<hbm>> -> memref<32x128xi32, #tpu.memory_space<hbm>>
          %dma_wait3A_58 = arith.constant 0 : i32
          %dma_wait3A_59 = tpu.memref_slice %arg4[%arg1, %mul3A_26, %dma_wait3A_58] : memref<16x160x128xi32, #tpu.memory_space<hbm>> -> memref<1x32x128xi32, #tpu.memory_space<hbm>>
          %dma_wait3A_60 = tpu.memref_squeeze %dma_wait3A_59 : memref<1x32x128xi32, #tpu.memory_space<hbm>> -> memref<32x128xi32, #tpu.memory_space<hbm>>
          tpu.wait_dma2 semaphore(%run_scoped3A : memref<!tpu.dma_semaphore, #tpu.memory_space<semaphore_mem>>) src(%dma_wait3A_60 : memref<32x128xi32, #tpu.memory_space<hbm>>) dst(%arg8 : memref<32x128xi32, #tpu.memory_space<vmem>>)
          tpu.yield
        }) : () -> ()
        %mul3A_27 = arith.constant 32 : i32
        %mul3A_28 = arith.muli %scan3A_23, %mul3A_27 : i32
        "tpu.region"() ({
          %run_scoped3A = tpu.sem_alloc : memref<!tpu.dma_semaphore, #tpu.memory_space<semaphore_mem>>
          %dma_start3A_49 = arith.constant 0 : i32
          %dma_start3A_50 = tpu.memref_slice %arg5[%arg1, %mul3A_28, %dma_start3A_49] : memref<16x160x128xi32, #tpu.memory_space<hbm>> -> memref<1x32x128xi32, #tpu.memory_space<hbm>>
          %dma_start3A_51 = tpu.memref_squeeze %dma_start3A_50 : memref<1x32x128xi32, #tpu.memory_space<hbm>> -> memref<32x128xi32, #tpu.memory_space<hbm>>
          %dma_start3A_52 = arith.constant 0 : i32
          %dma_start3A_53 = tpu.memref_slice %arg5[%arg1, %mul3A_28, %dma_start3A_52] : memref<16x160x128xi32, #tpu.memory_space<hbm>> -> memref<1x32x128xi32, #tpu.memory_space<hbm>>
          %dma_start3A_54 = tpu.memref_squeeze %dma_start3A_53 : memref<1x32x128xi32, #tpu.memory_space<hbm>> -> memref<32x128xi32, #tpu.memory_space<hbm>>
          tpu.enqueue_dma source(%dma_start3A_54 : memref<32x128xi32, #tpu.memory_space<hbm>>) target(%arg9 : memref<32x128xi32, #tpu.memory_space<vmem>>) target_semaphore(%run_scoped3A : memref<!tpu.dma_semaphore, #tpu.memory_space<semaphore_mem>>)
          %dma_wait3A_55 = arith.constant 0 : i32
          %dma_wait3A_56 = tpu.memref_slice %arg5[%arg1, %mul3A_28, %dma_wait3A_55] : memref<16x160x128xi32, #tpu.memory_space<hbm>> -> memref<1x32x128xi32, #tpu.memory_space<hbm>>
          %dma_wait3A_57 = tpu.memref_squeeze %dma_wait3A_56 : memref<1x32x128xi32, #tpu.memory_space<hbm>> -> memref<32x128xi32, #tpu.memory_space<hbm>>
          %dma_wait3A_58 = arith.constant 0 : i32
          %dma_wait3A_59 = tpu.memref_slice %arg5[%arg1, %mul3A_28, %dma_wait3A_58] : memref<16x160x128xi32, #tpu.memory_space<hbm>> -> memref<1x32x128xi32, #tpu.memory_space<hbm>>
          %dma_wait3A_60 = tpu.memref_squeeze %dma_wait3A_59 : memref<1x32x128xi32, #tpu.memory_space<hbm>> -> memref<32x128xi32, #tpu.memory_space<hbm>>
          tpu.wait_dma2 semaphore(%run_scoped3A : memref<!tpu.dma_semaphore, #tpu.memory_space<semaphore_mem>>) src(%dma_wait3A_60 : memref<32x128xi32, #tpu.memory_space<hbm>>) dst(%arg9 : memref<32x128xi32, #tpu.memory_space<vmem>>)
          tpu.yield
        }) : () -> ()
        %dma_start3A = arith.constant 0 : i32
        %dma_start3A_29 = arith.constant 0 : i32
        %dma_start3A_30 = tpu.memref_slice %arg8[%dma_start3A, %dma_start3A_29] : memref<32x128xi32, #tpu.memory_space<vmem>> -> memref<1x128xi32, #tpu.memory_space<vmem>>
        %dma_start3A_31 = tpu.memref_squeeze %dma_start3A_30 : memref<1x128xi32, #tpu.memory_space<vmem>> -> memref<128xi32, #tpu.memory_space<vmem>>
        %dma_start3A_32 = arith.constant 0 : i32
        %dma_start3A_33 = arith.constant 0 : i32
        %dma_start3A_34 = tpu.memref_slice %arg3[%dma_start3A_32, %dma_start3A_33] : memref<10240x128xf32, #tpu.memory_space<hbm>> -> memref<10240x128xf32, #tpu.memory_space<hbm>>
        tpu.enqueue_indirect_dma source(%dma_start3A_34 : memref<10240x128xf32, #tpu.memory_space<hbm>>) target(%arg10 : memref<128x128xf32, #tpu.memory_space<vmem>>) offsets(%dma_start3A_31 : memref<128xi32, #tpu.memory_space<vmem>>) semaphore(%arg13 : memref<!tpu.dma_semaphore, #tpu.memory_space<semaphore_mem>>)
        %scan3A_35 = arith.constant 0 : i32
        %scan3A_36 = arith.constant 0 : i32
        %scan3A_37 = arith.constant 16 : i32
        %scan3A_38 = arith.addi %scan3A_36, %scan3A_37 : i32
        %scan3A_39 = arith.constant 1 : i32
        %scan3A_40 = scf.for %scan3A_49 = %scan3A_36 to %scan3A_38 step %scan3A_39 iter_args(%scan3A_50 = %scan3A_35) -> (i32)  : i32 {
          %mul3A_51 = arith.constant 2 : i32
          %mul3A_52 = arith.muli %mul3A_51, %scan3A_49 : i32
          %add3A_53 = arith.constant 1 : i32
          %add3A_54 = arith.addi %mul3A_52, %add3A_53 : i32
          %dma_start3A_55 = arith.constant 0 : i32
          %dma_start3A_56 = tpu.memref_slice %arg8[%add3A_54, %dma_start3A_55] : memref<32x128xi32, #tpu.memory_space<vmem>> -> memref<1x128xi32, #tpu.memory_space<vmem>>
          %dma_start3A_57 = tpu.memref_squeeze %dma_start3A_56 : memref<1x128xi32, #tpu.memory_space<vmem>> -> memref<128xi32, #tpu.memory_space<vmem>>
          %dma_start3A_58 = arith.constant 0 : i32
          %dma_start3A_59 = arith.constant 0 : i32
          %dma_start3A_60 = tpu.memref_slice %arg3[%dma_start3A_58, %dma_start3A_59] : memref<10240x128xf32, #tpu.memory_space<hbm>> -> memref<10240x128xf32, #tpu.memory_space<hbm>>
          tpu.enqueue_indirect_dma source(%dma_start3A_60 : memref<10240x128xf32, #tpu.memory_space<hbm>>) target(%arg11 : memref<128x128xf32, #tpu.memory_space<vmem>>) offsets(%dma_start3A_57 : memref<128xi32, #tpu.memory_space<vmem>>) semaphore(%arg14 : memref<!tpu.dma_semaphore, #tpu.memory_space<semaphore_mem>>)
          %dma_wait3A_61 = arith.constant 0 : i32
          %dma_wait3A_62 = tpu.memref_slice %arg8[%mul3A_52, %dma_wait3A_61] : memref<32x128xi32, #tpu.memory_space<vmem>> -> memref<1x128xi32, #tpu.memory_space<vmem>>
          %dma_wait3A_63 = tpu.memref_squeeze %dma_wait3A_62 : memref<1x128xi32, #tpu.memory_space<vmem>> -> memref<128xi32, #tpu.memory_space<vmem>>
          %dma_wait3A_64 = arith.constant 0 : i32
          %dma_wait3A_65 = arith.constant 0 : i32
          %dma_wait3A_66 = tpu.memref_slice %arg3[%dma_wait3A_64, %dma_wait3A_65] : memref<10240x128xf32, #tpu.memory_space<hbm>> -> memref<10240x128xf32, #tpu.memory_space<hbm>>
          tpu.wait_indirect_dma semaphore(%arg13 : memref<!tpu.dma_semaphore, #tpu.memory_space<semaphore_mem>>) src(%dma_wait3A_66 : memref<10240x128xf32, #tpu.memory_space<hbm>>) dst(%arg10 : memref<128x128xf32, #tpu.memory_space<vmem>>)
          "tpu.region"() ({
            %run_scoped3A = tpu.sem_alloc : memref<!tpu.dma_semaphore, #tpu.memory_space<semaphore_mem>>
            %dma_start3A_87 = arith.constant 0 : i32
            %dma_start3A_88 = tpu.memref_slice %arg9[%mul3A_52, %dma_start3A_87] : memref<32x128xi32, #tpu.memory_space<vmem>> -> memref<1x128xi32, #tpu.memory_space<vmem>>
            %dma_start3A_89 = tpu.memref_squeeze %dma_start3A_88 : memref<1x128xi32, #tpu.memory_space<vmem>> -> memref<128xi32, #tpu.memory_space<vmem>>
            %dma_start3A_90 = arith.constant 0 : i32
            %dma_start3A_91 = arith.constant 0 : i32
            %dma_start3A_92 = tpu.memref_slice %arg12[%dma_start3A_90, %dma_start3A_91] : memref<10240x128xf32, #tpu.memory_space<vmem_shared>> -> memref<10240x128xf32, #tpu.memory_space<vmem_shared>>
            tpu.enqueue_indirect_dma source(%arg10 : memref<128x128xf32, #tpu.memory_space<vmem>>) target(%dma_start3A_92 : memref<10240x128xf32, #tpu.memory_space<vmem_shared>>) offsets(%dma_start3A_89 : memref<128xi32, #tpu.memory_space<vmem>>) semaphore(%run_scoped3A : memref<!tpu.dma_semaphore, #tpu.memory_space<semaphore_mem>>) {add = true}
            %dma_wait3A_93 = arith.constant 0 : i32
            %dma_wait3A_94 = tpu.memref_slice %arg9[%mul3A_52, %dma_wait3A_93] : memref<32x128xi32, #tpu.memory_space<vmem>> -> memref<1x128xi32, #tpu.memory_space<vmem>>
            %dma_wait3A_95 = tpu.memref_squeeze %dma_wait3A_94 : memref<1x128xi32, #tpu.memory_space<vmem>> -> memref<128xi32, #tpu.memory_space<vmem>>
            %dma_wait3A_96 = arith.constant 0 : i32
            %dma_wait3A_97 = arith.constant 0 : i32
            %dma_wait3A_98 = tpu.memref_slice %arg12[%dma_wait3A_96, %dma_wait3A_97] : memref<10240x128xf32, #tpu.memory_space<vmem_shared>> -> memref<10240x128xf32, #tpu.memory_space<vmem_shared>>
            tpu.wait_indirect_dma semaphore(%run_scoped3A : memref<!tpu.dma_semaphore, #tpu.memory_space<semaphore_mem>>) src(%arg10 : memref<128x128xf32, #tpu.memory_space<vmem>>) dst(%dma_wait3A_98 : memref<10240x128xf32, #tpu.memory_space<vmem_shared>>)
            tpu.yield
          }) : () -> ()
          %add3A_67 = arith.constant 2 : i32
          %add3A_68 = arith.addi %mul3A_52, %add3A_67 : i32
          %min3A = arith.constant 31 : i32
          %min3A_69 = arith.minsi %add3A_68, %min3A : i32
          %dma_start3A_70 = arith.constant 0 : i32
          %dma_start3A_71 = tpu.memref_slice %arg8[%min3A_69, %dma_start3A_70] : memref<32x128xi32, #tpu.memory_space<vmem>> -> memref<1x128xi32, #tpu.memory_space<vmem>>
          %dma_start3A_72 = tpu.memref_squeeze %dma_start3A_71 : memref<1x128xi32, #tpu.memory_space<vmem>> -> memref<128xi32, #tpu.memory_space<vmem>>
          %dma_start3A_73 = arith.constant 0 : i32
          %dma_start3A_74 = arith.constant 0 : i32
          %dma_start3A_75 = tpu.memref_slice %arg3[%dma_start3A_73, %dma_start3A_74] : memref<10240x128xf32, #tpu.memory_space<hbm>> -> memref<10240x128xf32, #tpu.memory_space<hbm>>
          tpu.enqueue_indirect_dma source(%dma_start3A_75 : memref<10240x128xf32, #tpu.memory_space<hbm>>) target(%arg10 : memref<128x128xf32, #tpu.memory_space<vmem>>) offsets(%dma_start3A_72 : memref<128xi32, #tpu.memory_space<vmem>>) semaphore(%arg13 : memref<!tpu.dma_semaphore, #tpu.memory_space<semaphore_mem>>)
          %add3A_76 = arith.constant 1 : i32
          %add3A_77 = arith.addi %mul3A_52, %add3A_76 : i32
          %dma_wait3A_78 = arith.constant 0 : i32
          %dma_wait3A_79 = tpu.memref_slice %arg8[%add3A_77, %dma_wait3A_78] : memref<32x128xi32, #tpu.memory_space<vmem>> -> memref<1x128xi32, #tpu.memory_space<vmem>>
          %dma_wait3A_80 = tpu.memref_squeeze %dma_wait3A_79 : memref<1x128xi32, #tpu.memory_space<vmem>> -> memref<128xi32, #tpu.memory_space<vmem>>
          %dma_wait3A_81 = arith.constant 0 : i32
          %dma_wait3A_82 = arith.constant 0 : i32
          %dma_wait3A_83 = tpu.memref_slice %arg3[%dma_wait3A_81, %dma_wait3A_82] : memref<10240x128xf32, #tpu.memory_space<hbm>> -> memref<10240x128xf32, #tpu.memory_space<hbm>>
          tpu.wait_indirect_dma semaphore(%arg14 : memref<!tpu.dma_semaphore, #tpu.memory_space<semaphore_mem>>) src(%dma_wait3A_83 : memref<10240x128xf32, #tpu.memory_space<hbm>>) dst(%arg11 : memref<128x128xf32, #tpu.memory_space<vmem>>)
          %add3A_84 = arith.constant 1 : i32
          %add3A_85 = arith.addi %mul3A_52, %add3A_84 : i32
          "tpu.region"() ({
            %run_scoped3A = tpu.sem_alloc : memref<!tpu.dma_semaphore, #tpu.memory_space<semaphore_mem>>
            %dma_start3A_87 = arith.constant 0 : i32
            %dma_start3A_88 = tpu.memref_slice %arg9[%add3A_85, %dma_start3A_87] : memref<32x128xi32, #tpu.memory_space<vmem>> -> memref<1x128xi32, #tpu.memory_space<vmem>>
            %dma_start3A_89 = tpu.memref_squeeze %dma_start3A_88 : memref<1x128xi32, #tpu.memory_space<vmem>> -> memref<128xi32, #tpu.memory_space<vmem>>
            %dma_start3A_90 = arith.constant 0 : i32
            %dma_start3A_91 = arith.constant 0 : i32
            %dma_start3A_92 = tpu.memref_slice %arg12[%dma_start3A_90, %dma_start3A_91] : memref<10240x128xf32, #tpu.memory_space<vmem_shared>> -> memref<10240x128xf32, #tpu.memory_space<vmem_shared>>
            tpu.enqueue_indirect_dma source(%arg11 : memref<128x128xf32, #tpu.memory_space<vmem>>) target(%dma_start3A_92 : memref<10240x128xf32, #tpu.memory_space<vmem_shared>>) offsets(%dma_start3A_89 : memref<128xi32, #tpu.memory_space<vmem>>) semaphore(%run_scoped3A : memref<!tpu.dma_semaphore, #tpu.memory_space<semaphore_mem>>) {add = true}
            %dma_wait3A_93 = arith.constant 0 : i32
            %dma_wait3A_94 = tpu.memref_slice %arg9[%add3A_85, %dma_wait3A_93] : memref<32x128xi32, #tpu.memory_space<vmem>> -> memref<1x128xi32, #tpu.memory_space<vmem>>
            %dma_wait3A_95 = tpu.memref_squeeze %dma_wait3A_94 : memref<1x128xi32, #tpu.memory_space<vmem>> -> memref<128xi32, #tpu.memory_space<vmem>>
            %dma_wait3A_96 = arith.constant 0 : i32
            %dma_wait3A_97 = arith.constant 0 : i32
            %dma_wait3A_98 = tpu.memref_slice %arg12[%dma_wait3A_96, %dma_wait3A_97] : memref<10240x128xf32, #tpu.memory_space<vmem_shared>> -> memref<10240x128xf32, #tpu.memory_space<vmem_shared>>
            tpu.wait_indirect_dma semaphore(%run_scoped3A : memref<!tpu.dma_semaphore, #tpu.memory_space<semaphore_mem>>) src(%arg11 : memref<128x128xf32, #tpu.memory_space<vmem>>) dst(%dma_wait3A_98 : memref<10240x128xf32, #tpu.memory_space<vmem_shared>>)
            tpu.yield
          }) : () -> ()
          %scan3A_86 = arith.constant 0 : i32
          scf.yield %scan3A_86 : i32
        }
        %scan3A_41 = arith.constant 16 : i32
        %dma_wait3A = arith.constant 0 : i32
        %dma_wait3A_42 = arith.constant 0 : i32
        %dma_wait3A_43 = tpu.memref_slice %arg8[%dma_wait3A, %dma_wait3A_42] : memref<32x128xi32, #tpu.memory_space<vmem>> -> memref<1x128xi32, #tpu.memory_space<vmem>>
        %dma_wait3A_44 = tpu.memref_squeeze %dma_wait3A_43 : memref<1x128xi32, #tpu.memory_space<vmem>> -> memref<128xi32, #tpu.memory_space<vmem>>
        %dma_wait3A_45 = arith.constant 0 : i32
        %dma_wait3A_46 = arith.constant 0 : i32
        %dma_wait3A_47 = tpu.memref_slice %arg3[%dma_wait3A_45, %dma_wait3A_46] : memref<10240x128xf32, #tpu.memory_space<hbm>> -> memref<10240x128xf32, #tpu.memory_space<hbm>>
        tpu.wait_indirect_dma semaphore(%arg13 : memref<!tpu.dma_semaphore, #tpu.memory_space<semaphore_mem>>) src(%dma_wait3A_47 : memref<10240x128xf32, #tpu.memory_space<hbm>>) dst(%arg10 : memref<128x128xf32, #tpu.memory_space<vmem>>)
        %scan3A_48 = arith.constant 0 : i32
        scf.yield %scan3A_48 : i32
      }
      %scan3A_22 = arith.constant 5 : i32
    } else {
    }
    %barrier3A_10 = arith.constant 0 : index
    tpu.barrier barrier_id(%barrier3A_10)
    %mul3A_11 = arith.constant 640 : i32
    %mul3A_12 = arith.muli %arg1, %mul3A_11 : i32
    %mul3A_13 = arith.constant 10240 : i32
    %mul3A_14 = arith.muli %arg0, %mul3A_13 : i32
    %mul3A_15 = arith.constant 640 : i32
    %mul3A_16 = arith.muli %arg1, %mul3A_15 : i32
    %add3A = arith.addi %mul3A_14, %mul3A_16 : i32
    "tpu.region"() ({
      %run_scoped3A = tpu.sem_alloc : memref<!tpu.dma_semaphore, #tpu.memory_space<semaphore_mem>>
      %dma_start3A = arith.constant 0 : i32
      %dma_start3A_17 = tpu.memref_slice %arg7[%add3A, %dma_start3A] : memref<20480x128xf32, #tpu.memory_space<hbm>> -> memref<640x128xf32, #tpu.memory_space<hbm>>
      %dma_start3A_18 = arith.constant 0 : i32
      %dma_start3A_19 = tpu.memref_slice %arg12[%mul3A_12, %dma_start3A_18] : memref<10240x128xf32, #tpu.memory_space<vmem_shared>> -> memref<640x128xf32, #tpu.memory_space<vmem_shared>>
      tpu.enqueue_dma source(%dma_start3A_19 : memref<640x128xf32, #tpu.memory_space<vmem_shared>>) target(%dma_start3A_17 : memref<640x128xf32, #tpu.memory_space<hbm>>) target_semaphore(%run_scoped3A : memref<!tpu.dma_semaphore, #tpu.memory_space<semaphore_mem>>)
      %dma_wait3A = arith.constant 0 : i32
      %dma_wait3A_20 = tpu.memref_slice %arg7[%add3A, %dma_wait3A] : memref<20480x128xf32, #tpu.memory_space<hbm>> -> memref<640x128xf32, #tpu.memory_space<hbm>>
      %dma_wait3A_21 = arith.constant 0 : i32
      %dma_wait3A_22 = tpu.memref_slice %arg12[%mul3A_12, %dma_wait3A_21] : memref<10240x128xf32, #tpu.memory_space<vmem_shared>> -> memref<640x128xf32, #tpu.memory_space<vmem_shared>>
      tpu.wait_dma2 semaphore(%run_scoped3A : memref<!tpu.dma_semaphore, #tpu.memory_space<semaphore_mem>>) src(%dma_wait3A_22 : memref<640x128xf32, #tpu.memory_space<vmem_shared>>) dst(%dma_wait3A_20 : memref<640x128xf32, #tpu.memory_space<hbm>>)
      tpu.yield
    }) : () -> ()
    return
  }
}

#map = affine_map<(d0, d1) -> (0, 0)>
#map1 = affine_map<(d0, d1) -> (0, 0, 0)>
module attributes {stable_mosaic.version = 14 : i64} {
  func.func @_agg_kernel(%arg0: i32, %arg1: i32, %arg2: memref<10240x128xf32, #tpu.memory_space<hbm>>, %arg3: memref<10240x128xf32, #tpu.memory_space<hbm>>, %arg4: memref<16x160x128xi32, #tpu.memory_space<hbm>>, %arg5: memref<16x160x128xi32, #tpu.memory_space<hbm>>, %arg6: memref<10240x128xf32, #tpu.memory_space<hbm>>, %arg7: memref<20480x128xf32, #tpu.memory_space<hbm>>, %arg8: memref<32x128xi32, #tpu.memory_space<vmem>>, %arg9: memref<32x128xi32, #tpu.memory_space<vmem>>, %arg10: memref<128x128xf32, #tpu.memory_space<vmem>>, %arg11: memref<128x128xf32, #tpu.memory_space<vmem>>, %arg12: memref<10240x128xf32, #tpu.memory_space<vmem_shared>>, %arg13: memref<!tpu.dma_semaphore, #tpu.memory_space<semaphore_mem>>, %arg14: memref<!tpu.dma_semaphore, #tpu.memory_space<semaphore_mem>>) attributes {dimension_semantics = [#tpu.dimension_semantics<core_parallel>, #tpu.dimension_semantics<subcore_parallel>], iteration_bounds = array<i64: 2, 16>, scalar_prefetch = 0 : i64, scratch_operands = 7 : i64, tpu.core_type = #tpu.core_type<sc_vector_subcore>, window_params = [{transform_indices = #map}, {transform_indices = #map}, {transform_indices = #map1}, {transform_indices = #map1}, {transform_indices = #map}, {transform_indices = #map}]} {
    %mul3A = arith.constant 640 : i32
    %mul3A_0 = arith.muli %arg1, %mul3A : i32
    %mul3A_1 = arith.constant 640 : i32
    %mul3A_2 = arith.muli %arg1, %mul3A_1 : i32
    "tpu.region"() ({
      %run_scoped3A = tpu.sem_alloc : memref<!tpu.dma_semaphore, #tpu.memory_space<semaphore_mem>>
      %dma_start3A = arith.constant 0 : i32
      %dma_start3A_17 = tpu.memref_slice %arg12[%mul3A_2, %dma_start3A] : memref<10240x128xf32, #tpu.memory_space<vmem_shared>> -> memref<640x128xf32, #tpu.memory_space<vmem_shared>>
      %dma_start3A_18 = arith.constant 0 : i32
      %dma_start3A_19 = tpu.memref_slice %arg6[%mul3A_0, %dma_start3A_18] : memref<10240x128xf32, #tpu.memory_space<hbm>> -> memref<640x128xf32, #tpu.memory_space<hbm>>
      tpu.enqueue_dma source(%dma_start3A_19 : memref<640x128xf32, #tpu.memory_space<hbm>>) target(%dma_start3A_17 : memref<640x128xf32, #tpu.memory_space<vmem_shared>>) target_semaphore(%run_scoped3A : memref<!tpu.dma_semaphore, #tpu.memory_space<semaphore_mem>>)
      %dma_wait3A = arith.constant 0 : i32
      %dma_wait3A_20 = tpu.memref_slice %arg12[%mul3A_2, %dma_wait3A] : memref<10240x128xf32, #tpu.memory_space<vmem_shared>> -> memref<640x128xf32, #tpu.memory_space<vmem_shared>>
      %dma_wait3A_21 = arith.constant 0 : i32
      %dma_wait3A_22 = tpu.memref_slice %arg6[%mul3A_0, %dma_wait3A_21] : memref<10240x128xf32, #tpu.memory_space<hbm>> -> memref<640x128xf32, #tpu.memory_space<hbm>>
      tpu.wait_dma2 semaphore(%run_scoped3A : memref<!tpu.dma_semaphore, #tpu.memory_space<semaphore_mem>>) src(%dma_wait3A_22 : memref<640x128xf32, #tpu.memory_space<hbm>>) dst(%dma_wait3A_20 : memref<640x128xf32, #tpu.memory_space<vmem_shared>>)
      tpu.yield
    }) : () -> ()
    %barrier3A = arith.constant 0 : index
    tpu.barrier barrier_id(%barrier3A)
    %eq3A = arith.constant 0 : i32
    %eq3A_3 = arith.cmpi eq, %arg0, %eq3A : i32
    %convert_element_type3A = arith.extui %eq3A_3 : i1 to i32
    %cond3A = arith.constant 0 : i32
    %cond3A_4 = arith.cmpi ne, %convert_element_type3A, %cond3A : i32
    scf.if %cond3A_4 {
      %scan3A = arith.constant 0 : i32
      %scan3A_17 = arith.constant 0 : i32
      %scan3A_18 = arith.constant 5 : i32
      %scan3A_19 = arith.addi %scan3A_17, %scan3A_18 : i32
      %scan3A_20 = arith.constant 1 : i32
      %scan3A_21 = scf.for %scan3A_23 = %scan3A_17 to %scan3A_19 step %scan3A_20 iter_args(%scan3A_24 = %scan3A) -> (i32)  : i32 {
        %mul3A_25 = arith.constant 32 : i32
        %mul3A_26 = arith.muli %scan3A_23, %mul3A_25 : i32
        "tpu.region"() ({
          %run_scoped3A = tpu.sem_alloc : memref<!tpu.dma_semaphore, #tpu.memory_space<semaphore_mem>>
          %dma_start3A_49 = arith.constant 0 : i32
          %dma_start3A_50 = tpu.memref_slice %arg4[%arg1, %mul3A_26, %dma_start3A_49] : memref<16x160x128xi32, #tpu.memory_space<hbm>> -> memref<1x32x128xi32, #tpu.memory_space<hbm>>
          %dma_start3A_51 = tpu.memref_squeeze %dma_start3A_50 : memref<1x32x128xi32, #tpu.memory_space<hbm>> -> memref<32x128xi32, #tpu.memory_space<hbm>>
          %dma_start3A_52 = arith.constant 0 : i32
          %dma_start3A_53 = tpu.memref_slice %arg4[%arg1, %mul3A_26, %dma_start3A_52] : memref<16x160x128xi32, #tpu.memory_space<hbm>> -> memref<1x32x128xi32, #tpu.memory_space<hbm>>
          %dma_start3A_54 = tpu.memref_squeeze %dma_start3A_53 : memref<1x32x128xi32, #tpu.memory_space<hbm>> -> memref<32x128xi32, #tpu.memory_space<hbm>>
          tpu.enqueue_dma source(%dma_start3A_54 : memref<32x128xi32, #tpu.memory_space<hbm>>) target(%arg8 : memref<32x128xi32, #tpu.memory_space<vmem>>) target_semaphore(%run_scoped3A : memref<!tpu.dma_semaphore, #tpu.memory_space<semaphore_mem>>)
          %dma_wait3A_55 = arith.constant 0 : i32
          %dma_wait3A_56 = tpu.memref_slice %arg4[%arg1, %mul3A_26, %dma_wait3A_55] : memref<16x160x128xi32, #tpu.memory_space<hbm>> -> memref<1x32x128xi32, #tpu.memory_space<hbm>>
          %dma_wait3A_57 = tpu.memref_squeeze %dma_wait3A_56 : memref<1x32x128xi32, #tpu.memory_space<hbm>> -> memref<32x128xi32, #tpu.memory_space<hbm>>
          %dma_wait3A_58 = arith.constant 0 : i32
          %dma_wait3A_59 = tpu.memref_slice %arg4[%arg1, %mul3A_26, %dma_wait3A_58] : memref<16x160x128xi32, #tpu.memory_space<hbm>> -> memref<1x32x128xi32, #tpu.memory_space<hbm>>
          %dma_wait3A_60 = tpu.memref_squeeze %dma_wait3A_59 : memref<1x32x128xi32, #tpu.memory_space<hbm>> -> memref<32x128xi32, #tpu.memory_space<hbm>>
          tpu.wait_dma2 semaphore(%run_scoped3A : memref<!tpu.dma_semaphore, #tpu.memory_space<semaphore_mem>>) src(%dma_wait3A_60 : memref<32x128xi32, #tpu.memory_space<hbm>>) dst(%arg8 : memref<32x128xi32, #tpu.memory_space<vmem>>)
          tpu.yield
        }) : () -> ()
        %mul3A_27 = arith.constant 32 : i32
        %mul3A_28 = arith.muli %scan3A_23, %mul3A_27 : i32
        "tpu.region"() ({
          %run_scoped3A = tpu.sem_alloc : memref<!tpu.dma_semaphore, #tpu.memory_space<semaphore_mem>>
          %dma_start3A_49 = arith.constant 0 : i32
          %dma_start3A_50 = tpu.memref_slice %arg5[%arg1, %mul3A_28, %dma_start3A_49] : memref<16x160x128xi32, #tpu.memory_space<hbm>> -> memref<1x32x128xi32, #tpu.memory_space<hbm>>
          %dma_start3A_51 = tpu.memref_squeeze %dma_start3A_50 : memref<1x32x128xi32, #tpu.memory_space<hbm>> -> memref<32x128xi32, #tpu.memory_space<hbm>>
          %dma_start3A_52 = arith.constant 0 : i32
          %dma_start3A_53 = tpu.memref_slice %arg5[%arg1, %mul3A_28, %dma_start3A_52] : memref<16x160x128xi32, #tpu.memory_space<hbm>> -> memref<1x32x128xi32, #tpu.memory_space<hbm>>
          %dma_start3A_54 = tpu.memref_squeeze %dma_start3A_53 : memref<1x32x128xi32, #tpu.memory_space<hbm>> -> memref<32x128xi32, #tpu.memory_space<hbm>>
          tpu.enqueue_dma source(%dma_start3A_54 : memref<32x128xi32, #tpu.memory_space<hbm>>) target(%arg9 : memref<32x128xi32, #tpu.memory_space<vmem>>) target_semaphore(%run_scoped3A : memref<!tpu.dma_semaphore, #tpu.memory_space<semaphore_mem>>)
          %dma_wait3A_55 = arith.constant 0 : i32
          %dma_wait3A_56 = tpu.memref_slice %arg5[%arg1, %mul3A_28, %dma_wait3A_55] : memref<16x160x128xi32, #tpu.memory_space<hbm>> -> memref<1x32x128xi32, #tpu.memory_space<hbm>>
          %dma_wait3A_57 = tpu.memref_squeeze %dma_wait3A_56 : memref<1x32x128xi32, #tpu.memory_space<hbm>> -> memref<32x128xi32, #tpu.memory_space<hbm>>
          %dma_wait3A_58 = arith.constant 0 : i32
          %dma_wait3A_59 = tpu.memref_slice %arg5[%arg1, %mul3A_28, %dma_wait3A_58] : memref<16x160x128xi32, #tpu.memory_space<hbm>> -> memref<1x32x128xi32, #tpu.memory_space<hbm>>
          %dma_wait3A_60 = tpu.memref_squeeze %dma_wait3A_59 : memref<1x32x128xi32, #tpu.memory_space<hbm>> -> memref<32x128xi32, #tpu.memory_space<hbm>>
          tpu.wait_dma2 semaphore(%run_scoped3A : memref<!tpu.dma_semaphore, #tpu.memory_space<semaphore_mem>>) src(%dma_wait3A_60 : memref<32x128xi32, #tpu.memory_space<hbm>>) dst(%arg9 : memref<32x128xi32, #tpu.memory_space<vmem>>)
          tpu.yield
        }) : () -> ()
        %dma_start3A = arith.constant 0 : i32
        %dma_start3A_29 = arith.constant 0 : i32
        %dma_start3A_30 = tpu.memref_slice %arg8[%dma_start3A, %dma_start3A_29] : memref<32x128xi32, #tpu.memory_space<vmem>> -> memref<1x128xi32, #tpu.memory_space<vmem>>
        %dma_start3A_31 = tpu.memref_squeeze %dma_start3A_30 : memref<1x128xi32, #tpu.memory_space<vmem>> -> memref<128xi32, #tpu.memory_space<vmem>>
        %dma_start3A_32 = arith.constant 0 : i32
        %dma_start3A_33 = arith.constant 0 : i32
        %dma_start3A_34 = tpu.memref_slice %arg2[%dma_start3A_32, %dma_start3A_33] : memref<10240x128xf32, #tpu.memory_space<hbm>> -> memref<10240x128xf32, #tpu.memory_space<hbm>>
        tpu.enqueue_indirect_dma source(%dma_start3A_34 : memref<10240x128xf32, #tpu.memory_space<hbm>>) target(%arg10 : memref<128x128xf32, #tpu.memory_space<vmem>>) offsets(%dma_start3A_31 : memref<128xi32, #tpu.memory_space<vmem>>) semaphore(%arg13 : memref<!tpu.dma_semaphore, #tpu.memory_space<semaphore_mem>>)
        %scan3A_35 = arith.constant 0 : i32
        %scan3A_36 = arith.constant 0 : i32
        %scan3A_37 = arith.constant 16 : i32
        %scan3A_38 = arith.addi %scan3A_36, %scan3A_37 : i32
        %scan3A_39 = arith.constant 1 : i32
        %scan3A_40 = scf.for %scan3A_49 = %scan3A_36 to %scan3A_38 step %scan3A_39 iter_args(%scan3A_50 = %scan3A_35) -> (i32)  : i32 {
          %mul3A_51 = arith.constant 2 : i32
          %mul3A_52 = arith.muli %mul3A_51, %scan3A_49 : i32
          %add3A_53 = arith.constant 1 : i32
          %add3A_54 = arith.addi %mul3A_52, %add3A_53 : i32
          %dma_start3A_55 = arith.constant 0 : i32
          %dma_start3A_56 = tpu.memref_slice %arg8[%add3A_54, %dma_start3A_55] : memref<32x128xi32, #tpu.memory_space<vmem>> -> memref<1x128xi32, #tpu.memory_space<vmem>>
          %dma_start3A_57 = tpu.memref_squeeze %dma_start3A_56 : memref<1x128xi32, #tpu.memory_space<vmem>> -> memref<128xi32, #tpu.memory_space<vmem>>
          %dma_start3A_58 = arith.constant 0 : i32
          %dma_start3A_59 = arith.constant 0 : i32
          %dma_start3A_60 = tpu.memref_slice %arg2[%dma_start3A_58, %dma_start3A_59] : memref<10240x128xf32, #tpu.memory_space<hbm>> -> memref<10240x128xf32, #tpu.memory_space<hbm>>
          tpu.enqueue_indirect_dma source(%dma_start3A_60 : memref<10240x128xf32, #tpu.memory_space<hbm>>) target(%arg11 : memref<128x128xf32, #tpu.memory_space<vmem>>) offsets(%dma_start3A_57 : memref<128xi32, #tpu.memory_space<vmem>>) semaphore(%arg14 : memref<!tpu.dma_semaphore, #tpu.memory_space<semaphore_mem>>)
          %dma_wait3A_61 = arith.constant 0 : i32
          %dma_wait3A_62 = tpu.memref_slice %arg8[%mul3A_52, %dma_wait3A_61] : memref<32x128xi32, #tpu.memory_space<vmem>> -> memref<1x128xi32, #tpu.memory_space<vmem>>
          %dma_wait3A_63 = tpu.memref_squeeze %dma_wait3A_62 : memref<1x128xi32, #tpu.memory_space<vmem>> -> memref<128xi32, #tpu.memory_space<vmem>>
          %dma_wait3A_64 = arith.constant 0 : i32
          %dma_wait3A_65 = arith.constant 0 : i32
          %dma_wait3A_66 = tpu.memref_slice %arg2[%dma_wait3A_64, %dma_wait3A_65] : memref<10240x128xf32, #tpu.memory_space<hbm>> -> memref<10240x128xf32, #tpu.memory_space<hbm>>
          tpu.wait_indirect_dma semaphore(%arg13 : memref<!tpu.dma_semaphore, #tpu.memory_space<semaphore_mem>>) src(%dma_wait3A_66 : memref<10240x128xf32, #tpu.memory_space<hbm>>) dst(%arg10 : memref<128x128xf32, #tpu.memory_space<vmem>>)
          "tpu.region"() ({
            %run_scoped3A = tpu.sem_alloc : memref<!tpu.dma_semaphore, #tpu.memory_space<semaphore_mem>>
            %dma_start3A_87 = arith.constant 0 : i32
            %dma_start3A_88 = tpu.memref_slice %arg9[%mul3A_52, %dma_start3A_87] : memref<32x128xi32, #tpu.memory_space<vmem>> -> memref<1x128xi32, #tpu.memory_space<vmem>>
            %dma_start3A_89 = tpu.memref_squeeze %dma_start3A_88 : memref<1x128xi32, #tpu.memory_space<vmem>> -> memref<128xi32, #tpu.memory_space<vmem>>
            %dma_start3A_90 = arith.constant 0 : i32
            %dma_start3A_91 = arith.constant 0 : i32
            %dma_start3A_92 = tpu.memref_slice %arg12[%dma_start3A_90, %dma_start3A_91] : memref<10240x128xf32, #tpu.memory_space<vmem_shared>> -> memref<10240x128xf32, #tpu.memory_space<vmem_shared>>
            tpu.enqueue_indirect_dma source(%arg10 : memref<128x128xf32, #tpu.memory_space<vmem>>) target(%dma_start3A_92 : memref<10240x128xf32, #tpu.memory_space<vmem_shared>>) offsets(%dma_start3A_89 : memref<128xi32, #tpu.memory_space<vmem>>) semaphore(%run_scoped3A : memref<!tpu.dma_semaphore, #tpu.memory_space<semaphore_mem>>) {add = true}
            %dma_wait3A_93 = arith.constant 0 : i32
            %dma_wait3A_94 = tpu.memref_slice %arg9[%mul3A_52, %dma_wait3A_93] : memref<32x128xi32, #tpu.memory_space<vmem>> -> memref<1x128xi32, #tpu.memory_space<vmem>>
            %dma_wait3A_95 = tpu.memref_squeeze %dma_wait3A_94 : memref<1x128xi32, #tpu.memory_space<vmem>> -> memref<128xi32, #tpu.memory_space<vmem>>
            %dma_wait3A_96 = arith.constant 0 : i32
            %dma_wait3A_97 = arith.constant 0 : i32
            %dma_wait3A_98 = tpu.memref_slice %arg12[%dma_wait3A_96, %dma_wait3A_97] : memref<10240x128xf32, #tpu.memory_space<vmem_shared>> -> memref<10240x128xf32, #tpu.memory_space<vmem_shared>>
            tpu.wait_indirect_dma semaphore(%run_scoped3A : memref<!tpu.dma_semaphore, #tpu.memory_space<semaphore_mem>>) src(%arg10 : memref<128x128xf32, #tpu.memory_space<vmem>>) dst(%dma_wait3A_98 : memref<10240x128xf32, #tpu.memory_space<vmem_shared>>)
            tpu.yield
          }) : () -> ()
          %add3A_67 = arith.constant 2 : i32
          %add3A_68 = arith.addi %mul3A_52, %add3A_67 : i32
          %min3A = arith.constant 31 : i32
          %min3A_69 = arith.minsi %add3A_68, %min3A : i32
          %dma_start3A_70 = arith.constant 0 : i32
          %dma_start3A_71 = tpu.memref_slice %arg8[%min3A_69, %dma_start3A_70] : memref<32x128xi32, #tpu.memory_space<vmem>> -> memref<1x128xi32, #tpu.memory_space<vmem>>
          %dma_start3A_72 = tpu.memref_squeeze %dma_start3A_71 : memref<1x128xi32, #tpu.memory_space<vmem>> -> memref<128xi32, #tpu.memory_space<vmem>>
          %dma_start3A_73 = arith.constant 0 : i32
          %dma_start3A_74 = arith.constant 0 : i32
          %dma_start3A_75 = tpu.memref_slice %arg2[%dma_start3A_73, %dma_start3A_74] : memref<10240x128xf32, #tpu.memory_space<hbm>> -> memref<10240x128xf32, #tpu.memory_space<hbm>>
          tpu.enqueue_indirect_dma source(%dma_start3A_75 : memref<10240x128xf32, #tpu.memory_space<hbm>>) target(%arg10 : memref<128x128xf32, #tpu.memory_space<vmem>>) offsets(%dma_start3A_72 : memref<128xi32, #tpu.memory_space<vmem>>) semaphore(%arg13 : memref<!tpu.dma_semaphore, #tpu.memory_space<semaphore_mem>>)
          %add3A_76 = arith.constant 1 : i32
          %add3A_77 = arith.addi %mul3A_52, %add3A_76 : i32
          %dma_wait3A_78 = arith.constant 0 : i32
          %dma_wait3A_79 = tpu.memref_slice %arg8[%add3A_77, %dma_wait3A_78] : memref<32x128xi32, #tpu.memory_space<vmem>> -> memref<1x128xi32, #tpu.memory_space<vmem>>
          %dma_wait3A_80 = tpu.memref_squeeze %dma_wait3A_79 : memref<1x128xi32, #tpu.memory_space<vmem>> -> memref<128xi32, #tpu.memory_space<vmem>>
          %dma_wait3A_81 = arith.constant 0 : i32
          %dma_wait3A_82 = arith.constant 0 : i32
          %dma_wait3A_83 = tpu.memref_slice %arg2[%dma_wait3A_81, %dma_wait3A_82] : memref<10240x128xf32, #tpu.memory_space<hbm>> -> memref<10240x128xf32, #tpu.memory_space<hbm>>
          tpu.wait_indirect_dma semaphore(%arg14 : memref<!tpu.dma_semaphore, #tpu.memory_space<semaphore_mem>>) src(%dma_wait3A_83 : memref<10240x128xf32, #tpu.memory_space<hbm>>) dst(%arg11 : memref<128x128xf32, #tpu.memory_space<vmem>>)
          %add3A_84 = arith.constant 1 : i32
          %add3A_85 = arith.addi %mul3A_52, %add3A_84 : i32
          "tpu.region"() ({
            %run_scoped3A = tpu.sem_alloc : memref<!tpu.dma_semaphore, #tpu.memory_space<semaphore_mem>>
            %dma_start3A_87 = arith.constant 0 : i32
            %dma_start3A_88 = tpu.memref_slice %arg9[%add3A_85, %dma_start3A_87] : memref<32x128xi32, #tpu.memory_space<vmem>> -> memref<1x128xi32, #tpu.memory_space<vmem>>
            %dma_start3A_89 = tpu.memref_squeeze %dma_start3A_88 : memref<1x128xi32, #tpu.memory_space<vmem>> -> memref<128xi32, #tpu.memory_space<vmem>>
            %dma_start3A_90 = arith.constant 0 : i32
            %dma_start3A_91 = arith.constant 0 : i32
            %dma_start3A_92 = tpu.memref_slice %arg12[%dma_start3A_90, %dma_start3A_91] : memref<10240x128xf32, #tpu.memory_space<vmem_shared>> -> memref<10240x128xf32, #tpu.memory_space<vmem_shared>>
            tpu.enqueue_indirect_dma source(%arg11 : memref<128x128xf32, #tpu.memory_space<vmem>>) target(%dma_start3A_92 : memref<10240x128xf32, #tpu.memory_space<vmem_shared>>) offsets(%dma_start3A_89 : memref<128xi32, #tpu.memory_space<vmem>>) semaphore(%run_scoped3A : memref<!tpu.dma_semaphore, #tpu.memory_space<semaphore_mem>>) {add = true}
            %dma_wait3A_93 = arith.constant 0 : i32
            %dma_wait3A_94 = tpu.memref_slice %arg9[%add3A_85, %dma_wait3A_93] : memref<32x128xi32, #tpu.memory_space<vmem>> -> memref<1x128xi32, #tpu.memory_space<vmem>>
            %dma_wait3A_95 = tpu.memref_squeeze %dma_wait3A_94 : memref<1x128xi32, #tpu.memory_space<vmem>> -> memref<128xi32, #tpu.memory_space<vmem>>
            %dma_wait3A_96 = arith.constant 0 : i32
            %dma_wait3A_97 = arith.constant 0 : i32
            %dma_wait3A_98 = tpu.memref_slice %arg12[%dma_wait3A_96, %dma_wait3A_97] : memref<10240x128xf32, #tpu.memory_space<vmem_shared>> -> memref<10240x128xf32, #tpu.memory_space<vmem_shared>>
            tpu.wait_indirect_dma semaphore(%run_scoped3A : memref<!tpu.dma_semaphore, #tpu.memory_space<semaphore_mem>>) src(%arg11 : memref<128x128xf32, #tpu.memory_space<vmem>>) dst(%dma_wait3A_98 : memref<10240x128xf32, #tpu.memory_space<vmem_shared>>)
            tpu.yield
          }) : () -> ()
          %scan3A_86 = arith.constant 0 : i32
          scf.yield %scan3A_86 : i32
        }
        %scan3A_41 = arith.constant 16 : i32
        %dma_wait3A = arith.constant 0 : i32
        %dma_wait3A_42 = arith.constant 0 : i32
        %dma_wait3A_43 = tpu.memref_slice %arg8[%dma_wait3A, %dma_wait3A_42] : memref<32x128xi32, #tpu.memory_space<vmem>> -> memref<1x128xi32, #tpu.memory_space<vmem>>
        %dma_wait3A_44 = tpu.memref_squeeze %dma_wait3A_43 : memref<1x128xi32, #tpu.memory_space<vmem>> -> memref<128xi32, #tpu.memory_space<vmem>>
        %dma_wait3A_45 = arith.constant 0 : i32
        %dma_wait3A_46 = arith.constant 0 : i32
        %dma_wait3A_47 = tpu.memref_slice %arg2[%dma_wait3A_45, %dma_wait3A_46] : memref<10240x128xf32, #tpu.memory_space<hbm>> -> memref<10240x128xf32, #tpu.memory_space<hbm>>
        tpu.wait_indirect_dma semaphore(%arg13 : memref<!tpu.dma_semaphore, #tpu.memory_space<semaphore_mem>>) src(%dma_wait3A_47 : memref<10240x128xf32, #tpu.memory_space<hbm>>) dst(%arg10 : memref<128x128xf32, #tpu.memory_space<vmem>>)
        %scan3A_48 = arith.constant 0 : i32
        scf.yield %scan3A_48 : i32
      }
      %scan3A_22 = arith.constant 5 : i32
    } else {
    }
    %eq3A_5 = arith.constant 1 : i32
    %eq3A_6 = arith.cmpi eq, %arg0, %eq3A_5 : i32
    %convert_element_type3A_7 = arith.extui %eq3A_6 : i1 to i32
    %cond3A_8 = arith.constant 0 : i32
    %cond3A_9 = arith.cmpi ne, %convert_element_type3A_7, %cond3A_8 : i32
    scf.if %cond3A_9 {
      %scan3A = arith.constant 0 : i32
      %scan3A_17 = arith.constant 0 : i32
      %scan3A_18 = arith.constant 5 : i32
      %scan3A_19 = arith.addi %scan3A_17, %scan3A_18 : i32
      %scan3A_20 = arith.constant 1 : i32
      %scan3A_21 = scf.for %scan3A_23 = %scan3A_17 to %scan3A_19 step %scan3A_20 iter_args(%scan3A_24 = %scan3A) -> (i32)  : i32 {
        %mul3A_25 = arith.constant 32 : i32
        %mul3A_26 = arith.muli %scan3A_23, %mul3A_25 : i32
        "tpu.region"() ({
          %run_scoped3A = tpu.sem_alloc : memref<!tpu.dma_semaphore, #tpu.memory_space<semaphore_mem>>
          %dma_start3A_49 = arith.constant 0 : i32
          %dma_start3A_50 = tpu.memref_slice %arg4[%arg1, %mul3A_26, %dma_start3A_49] : memref<16x160x128xi32, #tpu.memory_space<hbm>> -> memref<1x32x128xi32, #tpu.memory_space<hbm>>
          %dma_start3A_51 = tpu.memref_squeeze %dma_start3A_50 : memref<1x32x128xi32, #tpu.memory_space<hbm>> -> memref<32x128xi32, #tpu.memory_space<hbm>>
          %dma_start3A_52 = arith.constant 0 : i32
          %dma_start3A_53 = tpu.memref_slice %arg4[%arg1, %mul3A_26, %dma_start3A_52] : memref<16x160x128xi32, #tpu.memory_space<hbm>> -> memref<1x32x128xi32, #tpu.memory_space<hbm>>
          %dma_start3A_54 = tpu.memref_squeeze %dma_start3A_53 : memref<1x32x128xi32, #tpu.memory_space<hbm>> -> memref<32x128xi32, #tpu.memory_space<hbm>>
          tpu.enqueue_dma source(%dma_start3A_54 : memref<32x128xi32, #tpu.memory_space<hbm>>) target(%arg8 : memref<32x128xi32, #tpu.memory_space<vmem>>) target_semaphore(%run_scoped3A : memref<!tpu.dma_semaphore, #tpu.memory_space<semaphore_mem>>)
          %dma_wait3A_55 = arith.constant 0 : i32
          %dma_wait3A_56 = tpu.memref_slice %arg4[%arg1, %mul3A_26, %dma_wait3A_55] : memref<16x160x128xi32, #tpu.memory_space<hbm>> -> memref<1x32x128xi32, #tpu.memory_space<hbm>>
          %dma_wait3A_57 = tpu.memref_squeeze %dma_wait3A_56 : memref<1x32x128xi32, #tpu.memory_space<hbm>> -> memref<32x128xi32, #tpu.memory_space<hbm>>
          %dma_wait3A_58 = arith.constant 0 : i32
          %dma_wait3A_59 = tpu.memref_slice %arg4[%arg1, %mul3A_26, %dma_wait3A_58] : memref<16x160x128xi32, #tpu.memory_space<hbm>> -> memref<1x32x128xi32, #tpu.memory_space<hbm>>
          %dma_wait3A_60 = tpu.memref_squeeze %dma_wait3A_59 : memref<1x32x128xi32, #tpu.memory_space<hbm>> -> memref<32x128xi32, #tpu.memory_space<hbm>>
          tpu.wait_dma2 semaphore(%run_scoped3A : memref<!tpu.dma_semaphore, #tpu.memory_space<semaphore_mem>>) src(%dma_wait3A_60 : memref<32x128xi32, #tpu.memory_space<hbm>>) dst(%arg8 : memref<32x128xi32, #tpu.memory_space<vmem>>)
          tpu.yield
        }) : () -> ()
        %mul3A_27 = arith.constant 32 : i32
        %mul3A_28 = arith.muli %scan3A_23, %mul3A_27 : i32
        "tpu.region"() ({
          %run_scoped3A = tpu.sem_alloc : memref<!tpu.dma_semaphore, #tpu.memory_space<semaphore_mem>>
          %dma_start3A_49 = arith.constant 0 : i32
          %dma_start3A_50 = tpu.memref_slice %arg5[%arg1, %mul3A_28, %dma_start3A_49] : memref<16x160x128xi32, #tpu.memory_space<hbm>> -> memref<1x32x128xi32, #tpu.memory_space<hbm>>
          %dma_start3A_51 = tpu.memref_squeeze %dma_start3A_50 : memref<1x32x128xi32, #tpu.memory_space<hbm>> -> memref<32x128xi32, #tpu.memory_space<hbm>>
          %dma_start3A_52 = arith.constant 0 : i32
          %dma_start3A_53 = tpu.memref_slice %arg5[%arg1, %mul3A_28, %dma_start3A_52] : memref<16x160x128xi32, #tpu.memory_space<hbm>> -> memref<1x32x128xi32, #tpu.memory_space<hbm>>
          %dma_start3A_54 = tpu.memref_squeeze %dma_start3A_53 : memref<1x32x128xi32, #tpu.memory_space<hbm>> -> memref<32x128xi32, #tpu.memory_space<hbm>>
          tpu.enqueue_dma source(%dma_start3A_54 : memref<32x128xi32, #tpu.memory_space<hbm>>) target(%arg9 : memref<32x128xi32, #tpu.memory_space<vmem>>) target_semaphore(%run_scoped3A : memref<!tpu.dma_semaphore, #tpu.memory_space<semaphore_mem>>)
          %dma_wait3A_55 = arith.constant 0 : i32
          %dma_wait3A_56 = tpu.memref_slice %arg5[%arg1, %mul3A_28, %dma_wait3A_55] : memref<16x160x128xi32, #tpu.memory_space<hbm>> -> memref<1x32x128xi32, #tpu.memory_space<hbm>>
          %dma_wait3A_57 = tpu.memref_squeeze %dma_wait3A_56 : memref<1x32x128xi32, #tpu.memory_space<hbm>> -> memref<32x128xi32, #tpu.memory_space<hbm>>
          %dma_wait3A_58 = arith.constant 0 : i32
          %dma_wait3A_59 = tpu.memref_slice %arg5[%arg1, %mul3A_28, %dma_wait3A_58] : memref<16x160x128xi32, #tpu.memory_space<hbm>> -> memref<1x32x128xi32, #tpu.memory_space<hbm>>
          %dma_wait3A_60 = tpu.memref_squeeze %dma_wait3A_59 : memref<1x32x128xi32, #tpu.memory_space<hbm>> -> memref<32x128xi32, #tpu.memory_space<hbm>>
          tpu.wait_dma2 semaphore(%run_scoped3A : memref<!tpu.dma_semaphore, #tpu.memory_space<semaphore_mem>>) src(%dma_wait3A_60 : memref<32x128xi32, #tpu.memory_space<hbm>>) dst(%arg9 : memref<32x128xi32, #tpu.memory_space<vmem>>)
          tpu.yield
        }) : () -> ()
        %dma_start3A = arith.constant 0 : i32
        %dma_start3A_29 = arith.constant 0 : i32
        %dma_start3A_30 = tpu.memref_slice %arg8[%dma_start3A, %dma_start3A_29] : memref<32x128xi32, #tpu.memory_space<vmem>> -> memref<1x128xi32, #tpu.memory_space<vmem>>
        %dma_start3A_31 = tpu.memref_squeeze %dma_start3A_30 : memref<1x128xi32, #tpu.memory_space<vmem>> -> memref<128xi32, #tpu.memory_space<vmem>>
        %dma_start3A_32 = arith.constant 0 : i32
        %dma_start3A_33 = arith.constant 0 : i32
        %dma_start3A_34 = tpu.memref_slice %arg3[%dma_start3A_32, %dma_start3A_33] : memref<10240x128xf32, #tpu.memory_space<hbm>> -> memref<10240x128xf32, #tpu.memory_space<hbm>>
        tpu.enqueue_indirect_dma source(%dma_start3A_34 : memref<10240x128xf32, #tpu.memory_space<hbm>>) target(%arg10 : memref<128x128xf32, #tpu.memory_space<vmem>>) offsets(%dma_start3A_31 : memref<128xi32, #tpu.memory_space<vmem>>) semaphore(%arg13 : memref<!tpu.dma_semaphore, #tpu.memory_space<semaphore_mem>>)
        %scan3A_35 = arith.constant 0 : i32
        %scan3A_36 = arith.constant 0 : i32
        %scan3A_37 = arith.constant 16 : i32
        %scan3A_38 = arith.addi %scan3A_36, %scan3A_37 : i32
        %scan3A_39 = arith.constant 1 : i32
        %scan3A_40 = scf.for %scan3A_49 = %scan3A_36 to %scan3A_38 step %scan3A_39 iter_args(%scan3A_50 = %scan3A_35) -> (i32)  : i32 {
          %mul3A_51 = arith.constant 2 : i32
          %mul3A_52 = arith.muli %mul3A_51, %scan3A_49 : i32
          %add3A_53 = arith.constant 1 : i32
          %add3A_54 = arith.addi %mul3A_52, %add3A_53 : i32
          %dma_start3A_55 = arith.constant 0 : i32
          %dma_start3A_56 = tpu.memref_slice %arg8[%add3A_54, %dma_start3A_55] : memref<32x128xi32, #tpu.memory_space<vmem>> -> memref<1x128xi32, #tpu.memory_space<vmem>>
          %dma_start3A_57 = tpu.memref_squeeze %dma_start3A_56 : memref<1x128xi32, #tpu.memory_space<vmem>> -> memref<128xi32, #tpu.memory_space<vmem>>
          %dma_start3A_58 = arith.constant 0 : i32
          %dma_start3A_59 = arith.constant 0 : i32
          %dma_start3A_60 = tpu.memref_slice %arg3[%dma_start3A_58, %dma_start3A_59] : memref<10240x128xf32, #tpu.memory_space<hbm>> -> memref<10240x128xf32, #tpu.memory_space<hbm>>
          tpu.enqueue_indirect_dma source(%dma_start3A_60 : memref<10240x128xf32, #tpu.memory_space<hbm>>) target(%arg11 : memref<128x128xf32, #tpu.memory_space<vmem>>) offsets(%dma_start3A_57 : memref<128xi32, #tpu.memory_space<vmem>>) semaphore(%arg14 : memref<!tpu.dma_semaphore, #tpu.memory_space<semaphore_mem>>)
          %dma_wait3A_61 = arith.constant 0 : i32
          %dma_wait3A_62 = tpu.memref_slice %arg8[%mul3A_52, %dma_wait3A_61] : memref<32x128xi32, #tpu.memory_space<vmem>> -> memref<1x128xi32, #tpu.memory_space<vmem>>
          %dma_wait3A_63 = tpu.memref_squeeze %dma_wait3A_62 : memref<1x128xi32, #tpu.memory_space<vmem>> -> memref<128xi32, #tpu.memory_space<vmem>>
          %dma_wait3A_64 = arith.constant 0 : i32
          %dma_wait3A_65 = arith.constant 0 : i32
          %dma_wait3A_66 = tpu.memref_slice %arg3[%dma_wait3A_64, %dma_wait3A_65] : memref<10240x128xf32, #tpu.memory_space<hbm>> -> memref<10240x128xf32, #tpu.memory_space<hbm>>
          tpu.wait_indirect_dma semaphore(%arg13 : memref<!tpu.dma_semaphore, #tpu.memory_space<semaphore_mem>>) src(%dma_wait3A_66 : memref<10240x128xf32, #tpu.memory_space<hbm>>) dst(%arg10 : memref<128x128xf32, #tpu.memory_space<vmem>>)
          "tpu.region"() ({
            %run_scoped3A = tpu.sem_alloc : memref<!tpu.dma_semaphore, #tpu.memory_space<semaphore_mem>>
            %dma_start3A_87 = arith.constant 0 : i32
            %dma_start3A_88 = tpu.memref_slice %arg9[%mul3A_52, %dma_start3A_87] : memref<32x128xi32, #tpu.memory_space<vmem>> -> memref<1x128xi32, #tpu.memory_space<vmem>>
            %dma_start3A_89 = tpu.memref_squeeze %dma_start3A_88 : memref<1x128xi32, #tpu.memory_space<vmem>> -> memref<128xi32, #tpu.memory_space<vmem>>
            %dma_start3A_90 = arith.constant 0 : i32
            %dma_start3A_91 = arith.constant 0 : i32
            %dma_start3A_92 = tpu.memref_slice %arg12[%dma_start3A_90, %dma_start3A_91] : memref<10240x128xf32, #tpu.memory_space<vmem_shared>> -> memref<10240x128xf32, #tpu.memory_space<vmem_shared>>
            tpu.enqueue_indirect_dma source(%arg10 : memref<128x128xf32, #tpu.memory_space<vmem>>) target(%dma_start3A_92 : memref<10240x128xf32, #tpu.memory_space<vmem_shared>>) offsets(%dma_start3A_89 : memref<128xi32, #tpu.memory_space<vmem>>) semaphore(%run_scoped3A : memref<!tpu.dma_semaphore, #tpu.memory_space<semaphore_mem>>) {add = true}
            %dma_wait3A_93 = arith.constant 0 : i32
            %dma_wait3A_94 = tpu.memref_slice %arg9[%mul3A_52, %dma_wait3A_93] : memref<32x128xi32, #tpu.memory_space<vmem>> -> memref<1x128xi32, #tpu.memory_space<vmem>>
            %dma_wait3A_95 = tpu.memref_squeeze %dma_wait3A_94 : memref<1x128xi32, #tpu.memory_space<vmem>> -> memref<128xi32, #tpu.memory_space<vmem>>
            %dma_wait3A_96 = arith.constant 0 : i32
            %dma_wait3A_97 = arith.constant 0 : i32
            %dma_wait3A_98 = tpu.memref_slice %arg12[%dma_wait3A_96, %dma_wait3A_97] : memref<10240x128xf32, #tpu.memory_space<vmem_shared>> -> memref<10240x128xf32, #tpu.memory_space<vmem_shared>>
            tpu.wait_indirect_dma semaphore(%run_scoped3A : memref<!tpu.dma_semaphore, #tpu.memory_space<semaphore_mem>>) src(%arg10 : memref<128x128xf32, #tpu.memory_space<vmem>>) dst(%dma_wait3A_98 : memref<10240x128xf32, #tpu.memory_space<vmem_shared>>)
            tpu.yield
          }) : () -> ()
          %add3A_67 = arith.constant 2 : i32
          %add3A_68 = arith.addi %mul3A_52, %add3A_67 : i32
          %min3A = arith.constant 31 : i32
          %min3A_69 = arith.minsi %add3A_68, %min3A : i32
          %dma_start3A_70 = arith.constant 0 : i32
          %dma_start3A_71 = tpu.memref_slice %arg8[%min3A_69, %dma_start3A_70] : memref<32x128xi32, #tpu.memory_space<vmem>> -> memref<1x128xi32, #tpu.memory_space<vmem>>
          %dma_start3A_72 = tpu.memref_squeeze %dma_start3A_71 : memref<1x128xi32, #tpu.memory_space<vmem>> -> memref<128xi32, #tpu.memory_space<vmem>>
          %dma_start3A_73 = arith.constant 0 : i32
          %dma_start3A_74 = arith.constant 0 : i32
          %dma_start3A_75 = tpu.memref_slice %arg3[%dma_start3A_73, %dma_start3A_74] : memref<10240x128xf32, #tpu.memory_space<hbm>> -> memref<10240x128xf32, #tpu.memory_space<hbm>>
          tpu.enqueue_indirect_dma source(%dma_start3A_75 : memref<10240x128xf32, #tpu.memory_space<hbm>>) target(%arg10 : memref<128x128xf32, #tpu.memory_space<vmem>>) offsets(%dma_start3A_72 : memref<128xi32, #tpu.memory_space<vmem>>) semaphore(%arg13 : memref<!tpu.dma_semaphore, #tpu.memory_space<semaphore_mem>>)
          %add3A_76 = arith.constant 1 : i32
          %add3A_77 = arith.addi %mul3A_52, %add3A_76 : i32
          %dma_wait3A_78 = arith.constant 0 : i32
          %dma_wait3A_79 = tpu.memref_slice %arg8[%add3A_77, %dma_wait3A_78] : memref<32x128xi32, #tpu.memory_space<vmem>> -> memref<1x128xi32, #tpu.memory_space<vmem>>
          %dma_wait3A_80 = tpu.memref_squeeze %dma_wait3A_79 : memref<1x128xi32, #tpu.memory_space<vmem>> -> memref<128xi32, #tpu.memory_space<vmem>>
          %dma_wait3A_81 = arith.constant 0 : i32
          %dma_wait3A_82 = arith.constant 0 : i32
          %dma_wait3A_83 = tpu.memref_slice %arg3[%dma_wait3A_81, %dma_wait3A_82] : memref<10240x128xf32, #tpu.memory_space<hbm>> -> memref<10240x128xf32, #tpu.memory_space<hbm>>
          tpu.wait_indirect_dma semaphore(%arg14 : memref<!tpu.dma_semaphore, #tpu.memory_space<semaphore_mem>>) src(%dma_wait3A_83 : memref<10240x128xf32, #tpu.memory_space<hbm>>) dst(%arg11 : memref<128x128xf32, #tpu.memory_space<vmem>>)
          %add3A_84 = arith.constant 1 : i32
          %add3A_85 = arith.addi %mul3A_52, %add3A_84 : i32
          "tpu.region"() ({
            %run_scoped3A = tpu.sem_alloc : memref<!tpu.dma_semaphore, #tpu.memory_space<semaphore_mem>>
            %dma_start3A_87 = arith.constant 0 : i32
            %dma_start3A_88 = tpu.memref_slice %arg9[%add3A_85, %dma_start3A_87] : memref<32x128xi32, #tpu.memory_space<vmem>> -> memref<1x128xi32, #tpu.memory_space<vmem>>
            %dma_start3A_89 = tpu.memref_squeeze %dma_start3A_88 : memref<1x128xi32, #tpu.memory_space<vmem>> -> memref<128xi32, #tpu.memory_space<vmem>>
            %dma_start3A_90 = arith.constant 0 : i32
            %dma_start3A_91 = arith.constant 0 : i32
            %dma_start3A_92 = tpu.memref_slice %arg12[%dma_start3A_90, %dma_start3A_91] : memref<10240x128xf32, #tpu.memory_space<vmem_shared>> -> memref<10240x128xf32, #tpu.memory_space<vmem_shared>>
            tpu.enqueue_indirect_dma source(%arg11 : memref<128x128xf32, #tpu.memory_space<vmem>>) target(%dma_start3A_92 : memref<10240x128xf32, #tpu.memory_space<vmem_shared>>) offsets(%dma_start3A_89 : memref<128xi32, #tpu.memory_space<vmem>>) semaphore(%run_scoped3A : memref<!tpu.dma_semaphore, #tpu.memory_space<semaphore_mem>>) {add = true}
            %dma_wait3A_93 = arith.constant 0 : i32
            %dma_wait3A_94 = tpu.memref_slice %arg9[%add3A_85, %dma_wait3A_93] : memref<32x128xi32, #tpu.memory_space<vmem>> -> memref<1x128xi32, #tpu.memory_space<vmem>>
            %dma_wait3A_95 = tpu.memref_squeeze %dma_wait3A_94 : memref<1x128xi32, #tpu.memory_space<vmem>> -> memref<128xi32, #tpu.memory_space<vmem>>
            %dma_wait3A_96 = arith.constant 0 : i32
            %dma_wait3A_97 = arith.constant 0 : i32
            %dma_wait3A_98 = tpu.memref_slice %arg12[%dma_wait3A_96, %dma_wait3A_97] : memref<10240x128xf32, #tpu.memory_space<vmem_shared>> -> memref<10240x128xf32, #tpu.memory_space<vmem_shared>>
            tpu.wait_indirect_dma semaphore(%run_scoped3A : memref<!tpu.dma_semaphore, #tpu.memory_space<semaphore_mem>>) src(%arg11 : memref<128x128xf32, #tpu.memory_space<vmem>>) dst(%dma_wait3A_98 : memref<10240x128xf32, #tpu.memory_space<vmem_shared>>)
            tpu.yield
          }) : () -> ()
          %scan3A_86 = arith.constant 0 : i32
          scf.yield %scan3A_86 : i32
        }
        %scan3A_41 = arith.constant 16 : i32
        %dma_wait3A = arith.constant 0 : i32
        %dma_wait3A_42 = arith.constant 0 : i32
        %dma_wait3A_43 = tpu.memref_slice %arg8[%dma_wait3A, %dma_wait3A_42] : memref<32x128xi32, #tpu.memory_space<vmem>> -> memref<1x128xi32, #tpu.memory_space<vmem>>
        %dma_wait3A_44 = tpu.memref_squeeze %dma_wait3A_43 : memref<1x128xi32, #tpu.memory_space<vmem>> -> memref<128xi32, #tpu.memory_space<vmem>>
        %dma_wait3A_45 = arith.constant 0 : i32
        %dma_wait3A_46 = arith.constant 0 : i32
        %dma_wait3A_47 = tpu.memref_slice %arg3[%dma_wait3A_45, %dma_wait3A_46] : memref<10240x128xf32, #tpu.memory_space<hbm>> -> memref<10240x128xf32, #tpu.memory_space<hbm>>
        tpu.wait_indirect_dma semaphore(%arg13 : memref<!tpu.dma_semaphore, #tpu.memory_space<semaphore_mem>>) src(%dma_wait3A_47 : memref<10240x128xf32, #tpu.memory_space<hbm>>) dst(%arg10 : memref<128x128xf32, #tpu.memory_space<vmem>>)
        %scan3A_48 = arith.constant 0 : i32
        scf.yield %scan3A_48 : i32
      }
      %scan3A_22 = arith.constant 5 : i32
    } else {
    }
    %barrier3A_10 = arith.constant 0 : index
    tpu.barrier barrier_id(%barrier3A_10)
    %mul3A_11 = arith.constant 640 : i32
    %mul3A_12 = arith.muli %arg1, %mul3A_11 : i32
    %mul3A_13 = arith.constant 10240 : i32
    %mul3A_14 = arith.muli %arg0, %mul3A_13 : i32
    %mul3A_15 = arith.constant 640 : i32
    %mul3A_16 = arith.muli %arg1, %mul3A_15 : i32
    %add3A = arith.addi %mul3A_14, %mul3A_16 : i32
    "tpu.region"() ({
      %run_scoped3A = tpu.sem_alloc : memref<!tpu.dma_semaphore, #tpu.memory_space<semaphore_mem>>
      %dma_start3A = arith.constant 0 : i32
      %dma_start3A_17 = tpu.memref_slice %arg7[%add3A, %dma_start3A] : memref<20480x128xf32, #tpu.memory_space<hbm>> -> memref<640x128xf32, #tpu.memory_space<hbm>>
      %dma_start3A_18 = arith.constant 0 : i32
      %dma_start3A_19 = tpu.memref_slice %arg12[%mul3A_12, %dma_start3A_18] : memref<10240x128xf32, #tpu.memory_space<vmem_shared>> -> memref<640x128xf32, #tpu.memory_space<vmem_shared>>
      tpu.enqueue_dma source(%dma_start3A_19 : memref<640x128xf32, #tpu.memory_space<vmem_shared>>) target(%dma_start3A_17 : memref<640x128xf32, #tpu.memory_space<hbm>>) target_semaphore(%run_scoped3A : memref<!tpu.dma_semaphore, #tpu.memory_space<semaphore_mem>>)
      %dma_wait3A = arith.constant 0 : i32
      %dma_wait3A_20 = tpu.memref_slice %arg7[%add3A, %dma_wait3A] : memref<20480x128xf32, #tpu.memory_space<hbm>> -> memref<640x128xf32, #tpu.memory_space<hbm>>
      %dma_wait3A_21 = arith.constant 0 : i32
      %dma_wait3A_22 = tpu.memref_slice %arg12[%mul3A_12, %dma_wait3A_21] : memref<10240x128xf32, #tpu.memory_space<vmem_shared>> -> memref<640x128xf32, #tpu.memory_space<vmem_shared>>
      tpu.wait_dma2 semaphore(%run_scoped3A : memref<!tpu.dma_semaphore, #tpu.memory_space<semaphore_mem>>) src(%dma_wait3A_22 : memref<640x128xf32, #tpu.memory_space<vmem_shared>>) dst(%dma_wait3A_20 : memref<640x128xf32, #tpu.memory_space<hbm>>)
      tpu.yield
    }) : () -> ()
    return
  }
}

module attributes {stable_mosaic.version = 14 : i64} {
  func.func @_dense1_body(%arg0: i32, %arg1: memref<512x128xf32, #tpu.memory_space<vmem>>, %arg2: memref<128x256xf32, #tpu.memory_space<vmem>>, %arg3: memref<512x128xf32, #tpu.memory_space<vmem>>, %arg4: memref<512x128xf32, #tpu.memory_space<vmem>>, %arg5: memref<512x128xf32, #tpu.memory_space<vmem>>, %arg6: memref<512x128xf32, #tpu.memory_space<vmem>>, %arg7: memref<512x1xf32, #tpu.memory_space<vmem>>) attributes {dimension_semantics = [#tpu.dimension_semantics<arbitrary>], iteration_bounds = array<i64: 20>, scalar_prefetch = 0 : i64, scratch_operands = 0 : i64, tpu.core_type = #tpu.core_type<tc>, window_params = [{transform_indices = @transform_0, window_bounds = array<i64: 512, 128>}, {pipeline_mode = #tpu.pipeline_mode<synchronous>, transform_indices = @transform_1, window_bounds = array<i64: 128, 256>}, {transform_indices = @transform_2, window_bounds = array<i64: 512, 128>}, {transform_indices = @transform_3, window_bounds = array<i64: 512, 128>}, {transform_indices = @transform_4, window_bounds = array<i64: 512, 128>}, {transform_indices = @transform_5, window_bounds = array<i64: 512, 128>}, {transform_indices = @transform_6, window_bounds = array<i64: 512, 1>}]} {
    %get3A = arith.constant 0 : index
    %get3A_0 = arith.constant 0 : index
    %get3A_1 = vector.load %arg1[%get3A, %get3A_0] : memref<512x128xf32, #tpu.memory_space<vmem>>, vector<512x128xf32>
    %get3A_2 = arith.constant 0 : index
    %get3A_3 = arith.constant 0 : index
    %get3A_4 = vector.load %arg2[%get3A_2, %get3A_3] : memref<128x256xf32, #tpu.memory_space<vmem>>, vector<128x256xf32>
    %dot_general3A = arith.constant dense<0.000000e+00> : vector<512x256xf32>
    %dot_general3A_5 = tpu.matmul %get3A_1, %get3A_4, %dot_general3A {dimension_numbers = #tpu.dot_dimension_numbers<[1], [0], [0], [1], [0, 0, 1, 1], [], []>, transpose_lhs_hint = false} : vector<512x128xf32>, vector<128x256xf32>, vector<512x256xf32> -> vector<512x256xf32>
    %get3A_6 = arith.constant 0 : index
    %get3A_7 = arith.constant 0 : index
    %get3A_8 = vector.load %arg3[%get3A_6, %get3A_7] : memref<512x128xf32, #tpu.memory_space<vmem>>, vector<512x128xf32>
    %slice3A = vector.extract_strided_slice %get3A_8 {offsets = [0, 0], sizes = [512, 1], strides = [1, 1]} : vector<512x128xf32> to vector<512x1xf32>
    %get3A_9 = arith.constant 0 : index
    %get3A_10 = arith.constant 0 : index
    %get3A_11 = vector.load %arg4[%get3A_9, %get3A_10] : memref<512x128xf32, #tpu.memory_space<vmem>>, vector<512x128xf32>
    %slice3A_12 = vector.extract_strided_slice %get3A_11 {offsets = [0, 0], sizes = [512, 1], strides = [1, 1]} : vector<512x128xf32> to vector<512x1xf32>
    %add3A = arith.addf %slice3A, %slice3A_12 : vector<512x1xf32>
    %add3A_13 = arith.constant 1.000000e+00 : f32
    %add3A_14 = vector.broadcast %add3A_13 : f32 to vector<512x1xf32>
    %add3A_15 = arith.addf %add3A, %add3A_14 : vector<512x1xf32>
    %iota3A = tpu.iota {dimensions = array<i32: 0>} : vector<512x1xi32>
    %mul3A = arith.constant 512 : i32
    %mul3A_16 = arith.muli %arg0, %mul3A : i32
    %add3A_17 = vector.broadcast %mul3A_16 : i32 to vector<512x1xi32>
    %add3A_18 = arith.addi %iota3A, %add3A_17 : vector<512x1xi32>
    %lt3A = arith.constant 10000 : i32
    %lt3A_19 = vector.broadcast %lt3A : i32 to vector<512x1xi32>
    %lt3A_20 = arith.cmpi slt, %add3A_18, %lt3A_19 : vector<512x1xi32>
    %rsqrt3A = math.rsqrt %add3A_15 : vector<512x1xf32>
    %jit3A = arith.constant 0.000000e+00 : f32
    %broadcast_in_dim3A = vector.broadcast %jit3A : f32 to vector<512x1xf32>
    %select_n3A = arith.select %lt3A_20, %rsqrt3A, %broadcast_in_dim3A : vector<512x1xi1>, vector<512x1xf32>
    %mul3A_21 = vector.broadcast %select_n3A : vector<512x1xf32> to vector<512x256xf32>
    %mul3A_22 = arith.mulf %dot_general3A_5, %mul3A_21 : vector<512x256xf32>
    %slice3A_23 = vector.extract_strided_slice %mul3A_22 {offsets = [0, 0], sizes = [512, 128], strides = [1, 1]} : vector<512x256xf32> to vector<512x128xf32>
    %swap3A = arith.constant 0 : index
    %swap3A_24 = arith.constant 0 : index
    %swap3A_25 = vector.load %arg5[%swap3A, %swap3A_24] : memref<512x128xf32, #tpu.memory_space<vmem>>, vector<512x128xf32>
    tpu.vector_store %arg5[%swap3A, %swap3A_24], %slice3A_23 {strides = array<i32>} : memref<512x128xf32, #tpu.memory_space<vmem>>, vector<512x128xf32>,
    %slice3A_26 = vector.extract_strided_slice %mul3A_22 {offsets = [0, 128], sizes = [512, 128], strides = [1, 1]} : vector<512x256xf32> to vector<512x128xf32>
    %swap3A_27 = arith.constant 0 : index
    %swap3A_28 = arith.constant 0 : index
    %swap3A_29 = vector.load %arg6[%swap3A_27, %swap3A_28] : memref<512x128xf32, #tpu.memory_space<vmem>>, vector<512x128xf32>
    tpu.vector_store %arg6[%swap3A_27, %swap3A_28], %slice3A_26 {strides = array<i32>} : memref<512x128xf32, #tpu.memory_space<vmem>>, vector<512x128xf32>,
    %swap3A_30 = arith.constant 0 : index
    %swap3A_31 = arith.constant 0 : index
    %swap3A_32 = vector.load %arg7[%swap3A_30, %swap3A_31] : memref<512x1xf32, #tpu.memory_space<vmem>>, vector<512x1xf32>
    tpu.vector_store %arg7[%swap3A_30, %swap3A_31], %select_n3A {strides = array<i32>} : memref<512x1xf32, #tpu.memory_space<vmem>>, vector<512x1xf32>,
    return
  }
  func.func @transform_0(%arg0: i32) -> (i32, i32) {
    %c0_i32 = arith.constant 0 : i32
    %c0_i32_0 = arith.constant 0 : i32
    return %arg0, %c0_i32 : i32, i32
  }
  func.func @transform_1(%arg0: i32) -> (i32, i32) {
    %c0_i32 = arith.constant 0 : i32
    %c0_i32_0 = arith.constant 0 : i32
    %c0_i32_1 = arith.constant 0 : i32
    return %c0_i32, %c0_i32_0 : i32, i32
  }
  func.func @transform_2(%arg0: i32) -> (i32, i32) {
    %c0_i32 = arith.constant 0 : i32
    %c0_i32_0 = arith.constant 0 : i32
    return %arg0, %c0_i32 : i32, i32
  }
  func.func @transform_3(%arg0: i32) -> (i32, i32) {
    %add3A = arith.constant 20 : i32
    %add3A_0 = arith.addi %arg0, %add3A : i32
    %c0_i32 = arith.constant 0 : i32
    %c0_i32_1 = arith.constant 0 : i32
    return %add3A_0, %c0_i32 : i32, i32
  }
  func.func @transform_4(%arg0: i32) -> (i32, i32) {
    %c0_i32 = arith.constant 0 : i32
    %c0_i32_0 = arith.constant 0 : i32
    return %arg0, %c0_i32 : i32, i32
  }
  func.func @transform_5(%arg0: i32) -> (i32, i32) {
    %c0_i32 = arith.constant 0 : i32
    %c0_i32_0 = arith.constant 0 : i32
    return %arg0, %c0_i32 : i32, i32
  }
  func.func @transform_6(%arg0: i32) -> (i32, i32) {
    %c0_i32 = arith.constant 0 : i32
    %c0_i32_0 = arith.constant 0 : i32
    return %arg0, %c0_i32 : i32, i32
  }
}

module attributes {stable_mosaic.version = 14 : i64} {
  func.func @_dense2_body(%arg0: i32, %arg1: memref<512x128xf32, #tpu.memory_space<vmem>>, %arg2: memref<512x128xf32, #tpu.memory_space<vmem>>, %arg3: memref<512x128xf32, #tpu.memory_space<vmem>>, %arg4: memref<512x128xf32, #tpu.memory_space<vmem>>, %arg5: memref<512x1xf32, #tpu.memory_space<vmem>>, %arg6: memref<1x256xf32, #tpu.memory_space<vmem>>, %arg7: memref<256x256xf32, #tpu.memory_space<vmem>>, %arg8: memref<512x128xf32, #tpu.memory_space<vmem>>, %arg9: memref<512x128xf32, #tpu.memory_space<vmem>>) attributes {dimension_semantics = [#tpu.dimension_semantics<arbitrary>], iteration_bounds = array<i64: 20>, scalar_prefetch = 0 : i64, scratch_operands = 0 : i64, tpu.core_type = #tpu.core_type<tc>, window_params = [{transform_indices = @transform_0, window_bounds = array<i64: 512, 128>}, {transform_indices = @transform_1, window_bounds = array<i64: 512, 128>}, {transform_indices = @transform_2, window_bounds = array<i64: 512, 128>}, {transform_indices = @transform_3, window_bounds = array<i64: 512, 128>}, {transform_indices = @transform_4, window_bounds = array<i64: 512, 1>}, {pipeline_mode = #tpu.pipeline_mode<synchronous>, transform_indices = @transform_5, window_bounds = array<i64: 1, 256>}, {pipeline_mode = #tpu.pipeline_mode<synchronous>, transform_indices = @transform_6, window_bounds = array<i64: 256, 256>}, {transform_indices = @transform_7, window_bounds = array<i64: 512, 128>}, {transform_indices = @transform_8, window_bounds = array<i64: 512, 128>}]} {
    %get3A = arith.constant 0 : index
    %get3A_0 = arith.constant 0 : index
    %get3A_1 = vector.load %arg5[%get3A, %get3A_0] : memref<512x1xf32, #tpu.memory_space<vmem>>, vector<512x1xf32>
    %get3A_2 = arith.constant 0 : index
    %get3A_3 = arith.constant 0 : index
    %get3A_4 = vector.load %arg1[%get3A_2, %get3A_3] : memref<512x128xf32, #tpu.memory_space<vmem>>, vector<512x128xf32>
    %get3A_5 = arith.constant 0 : index
    %get3A_6 = arith.constant 0 : index
    %get3A_7 = vector.load %arg3[%get3A_5, %get3A_6] : memref<512x128xf32, #tpu.memory_space<vmem>>, vector<512x128xf32>
    %add3A = arith.addf %get3A_4, %get3A_7 : vector<512x128xf32>
    %get3A_8 = arith.constant 0 : index
    %get3A_9 = arith.constant 0 : index
    %get3A_10 = vector.load %arg2[%get3A_8, %get3A_9] : memref<512x128xf32, #tpu.memory_space<vmem>>, vector<512x128xf32>
    %get3A_11 = arith.constant 0 : index
    %get3A_12 = arith.constant 0 : index
    %get3A_13 = vector.load %arg4[%get3A_11, %get3A_12] : memref<512x128xf32, #tpu.memory_space<vmem>>, vector<512x128xf32>
    %add3A_14 = arith.addf %get3A_10, %get3A_13 : vector<512x128xf32>
    %concatenate3A = tpu.concatenate %add3A, %add3A_14 in 1 : vector<512x128xf32>, vector<512x128xf32> -> vector<512x256xf32>
    %mul3A = vector.broadcast %get3A_1 : vector<512x1xf32> to vector<512x256xf32>
    %mul3A_15 = arith.mulf %concatenate3A, %mul3A : vector<512x256xf32>
    %get3A_16 = arith.constant 0 : index
    %get3A_17 = arith.constant 0 : index
    %get3A_18 = vector.load %arg6[%get3A_16, %get3A_17] : memref<1x256xf32, #tpu.memory_space<vmem>>, vector<1x256xf32>
    %add3A_19 = vector.broadcast %get3A_18 : vector<1x256xf32> to vector<512x256xf32>
    %add3A_20 = arith.addf %mul3A_15, %add3A_19 : vector<512x256xf32>
    %max3A = arith.constant 0.000000e+00 : f32
    %max3A_21 = vector.broadcast %max3A : f32 to vector<512x256xf32>
    %max3A_22 = arith.maximumf %add3A_20, %max3A_21 : vector<512x256xf32>
    %get3A_23 = arith.constant 0 : index
    %get3A_24 = arith.constant 0 : index
    %get3A_25 = vector.load %arg7[%get3A_23, %get3A_24] : memref<256x256xf32, #tpu.memory_space<vmem>>, vector<256x256xf32>
    %dot_general3A = arith.constant dense<0.000000e+00> : vector<512x256xf32>
    %dot_general3A_26 = tpu.matmul %max3A_22, %get3A_25, %dot_general3A {dimension_numbers = #tpu.dot_dimension_numbers<[1], [0], [0], [1], [0, 0, 1, 1], [], []>, transpose_lhs_hint = false} : vector<512x256xf32>, vector<256x256xf32>, vector<512x256xf32> -> vector<512x256xf32>
    %mul3A_27 = vector.broadcast %get3A_1 : vector<512x1xf32> to vector<512x256xf32>
    %mul3A_28 = arith.mulf %dot_general3A_26, %mul3A_27 : vector<512x256xf32>
    %slice3A = vector.extract_strided_slice %mul3A_28 {offsets = [0, 0], sizes = [512, 128], strides = [1, 1]} : vector<512x256xf32> to vector<512x128xf32>
    %swap3A = arith.constant 0 : index
    %swap3A_29 = arith.constant 0 : index
    %swap3A_30 = vector.load %arg8[%swap3A, %swap3A_29] : memref<512x128xf32, #tpu.memory_space<vmem>>, vector<512x128xf32>
    tpu.vector_store %arg8[%swap3A, %swap3A_29], %slice3A {strides = array<i32>} : memref<512x128xf32, #tpu.memory_space<vmem>>, vector<512x128xf32>,
    %slice3A_31 = vector.extract_strided_slice %mul3A_28 {offsets = [0, 128], sizes = [512, 128], strides = [1, 1]} : vector<512x256xf32> to vector<512x128xf32>
    %swap3A_32 = arith.constant 0 : index
    %swap3A_33 = arith.constant 0 : index
    %swap3A_34 = vector.load %arg9[%swap3A_32, %swap3A_33] : memref<512x128xf32, #tpu.memory_space<vmem>>, vector<512x128xf32>
    tpu.vector_store %arg9[%swap3A_32, %swap3A_33], %slice3A_31 {strides = array<i32>} : memref<512x128xf32, #tpu.memory_space<vmem>>, vector<512x128xf32>,
    return
  }
  func.func @transform_0(%arg0: i32) -> (i32, i32) {
    %c0_i32 = arith.constant 0 : i32
    %c0_i32_0 = arith.constant 0 : i32
    return %arg0, %c0_i32 : i32, i32
  }
  func.func @transform_1(%arg0: i32) -> (i32, i32) {
    %add3A = arith.constant 20 : i32
    %add3A_0 = arith.addi %arg0, %add3A : i32
    %c0_i32 = arith.constant 0 : i32
    %c0_i32_1 = arith.constant 0 : i32
    return %add3A_0, %c0_i32 : i32, i32
  }
  func.func @transform_2(%arg0: i32) -> (i32, i32) {
    %c0_i32 = arith.constant 0 : i32
    %c0_i32_0 = arith.constant 0 : i32
    return %arg0, %c0_i32 : i32, i32
  }
  func.func @transform_3(%arg0: i32) -> (i32, i32) {
    %c0_i32 = arith.constant 0 : i32
    %c0_i32_0 = arith.constant 0 : i32
    return %arg0, %c0_i32 : i32, i32
  }
  func.func @transform_4(%arg0: i32) -> (i32, i32) {
    %c0_i32 = arith.constant 0 : i32
    %c0_i32_0 = arith.constant 0 : i32
    return %arg0, %c0_i32 : i32, i32
  }
  func.func @transform_5(%arg0: i32) -> (i32, i32) {
    %c0_i32 = arith.constant 0 : i32
    %c0_i32_0 = arith.constant 0 : i32
    %c0_i32_1 = arith.constant 0 : i32
    return %c0_i32, %c0_i32_0 : i32, i32
  }
  func.func @transform_6(%arg0: i32) -> (i32, i32) {
    %c0_i32 = arith.constant 0 : i32
    %c0_i32_0 = arith.constant 0 : i32
    %c0_i32_1 = arith.constant 0 : i32
    return %c0_i32, %c0_i32_0 : i32, i32
  }
  func.func @transform_7(%arg0: i32) -> (i32, i32) {
    %c0_i32 = arith.constant 0 : i32
    %c0_i32_0 = arith.constant 0 : i32
    return %arg0, %c0_i32 : i32, i32
  }
  func.func @transform_8(%arg0: i32) -> (i32, i32) {
    %c0_i32 = arith.constant 0 : i32
    %c0_i32_0 = arith.constant 0 : i32
    return %arg0, %c0_i32 : i32, i32
  }
}

module attributes {stable_mosaic.version = 14 : i64} {
  func.func @_dense3_body(%arg0: i32, %arg1: memref<512x128xf32, #tpu.memory_space<vmem>>, %arg2: memref<512x128xf32, #tpu.memory_space<vmem>>, %arg3: memref<512x128xf32, #tpu.memory_space<vmem>>, %arg4: memref<512x128xf32, #tpu.memory_space<vmem>>, %arg5: memref<512x1xf32, #tpu.memory_space<vmem>>, %arg6: memref<1x256xf32, #tpu.memory_space<vmem>>, %arg7: memref<256x128xf32, #tpu.memory_space<vmem>>, %arg8: memref<1x128xf32, #tpu.memory_space<vmem>>, %arg9: memref<512x128xf32, #tpu.memory_space<vmem>>) attributes {dimension_semantics = [#tpu.dimension_semantics<arbitrary>], iteration_bounds = array<i64: 20>, scalar_prefetch = 0 : i64, scratch_operands = 0 : i64, tpu.core_type = #tpu.core_type<tc>, window_params = [{transform_indices = @transform_0, window_bounds = array<i64: 512, 128>}, {transform_indices = @transform_1, window_bounds = array<i64: 512, 128>}, {transform_indices = @transform_2, window_bounds = array<i64: 512, 128>}, {transform_indices = @transform_3, window_bounds = array<i64: 512, 128>}, {transform_indices = @transform_4, window_bounds = array<i64: 512, 1>}, {pipeline_mode = #tpu.pipeline_mode<synchronous>, transform_indices = @transform_5, window_bounds = array<i64: 1, 256>}, {pipeline_mode = #tpu.pipeline_mode<synchronous>, transform_indices = @transform_6, window_bounds = array<i64: 256, 128>}, {pipeline_mode = #tpu.pipeline_mode<synchronous>, transform_indices = @transform_7, window_bounds = array<i64: 1, 128>}, {transform_indices = @transform_8, window_bounds = array<i64: 512, 128>}]} {
    %get3A = arith.constant 0 : index
    %get3A_0 = arith.constant 0 : index
    %get3A_1 = vector.load %arg5[%get3A, %get3A_0] : memref<512x1xf32, #tpu.memory_space<vmem>>, vector<512x1xf32>
    %get3A_2 = arith.constant 0 : index
    %get3A_3 = arith.constant 0 : index
    %get3A_4 = vector.load %arg1[%get3A_2, %get3A_3] : memref<512x128xf32, #tpu.memory_space<vmem>>, vector<512x128xf32>
    %get3A_5 = arith.constant 0 : index
    %get3A_6 = arith.constant 0 : index
    %get3A_7 = vector.load %arg3[%get3A_5, %get3A_6] : memref<512x128xf32, #tpu.memory_space<vmem>>, vector<512x128xf32>
    %add3A = arith.addf %get3A_4, %get3A_7 : vector<512x128xf32>
    %get3A_8 = arith.constant 0 : index
    %get3A_9 = arith.constant 0 : index
    %get3A_10 = vector.load %arg2[%get3A_8, %get3A_9] : memref<512x128xf32, #tpu.memory_space<vmem>>, vector<512x128xf32>
    %get3A_11 = arith.constant 0 : index
    %get3A_12 = arith.constant 0 : index
    %get3A_13 = vector.load %arg4[%get3A_11, %get3A_12] : memref<512x128xf32, #tpu.memory_space<vmem>>, vector<512x128xf32>
    %add3A_14 = arith.addf %get3A_10, %get3A_13 : vector<512x128xf32>
    %concatenate3A = tpu.concatenate %add3A, %add3A_14 in 1 : vector<512x128xf32>, vector<512x128xf32> -> vector<512x256xf32>
    %mul3A = vector.broadcast %get3A_1 : vector<512x1xf32> to vector<512x256xf32>
    %mul3A_15 = arith.mulf %concatenate3A, %mul3A : vector<512x256xf32>
    %get3A_16 = arith.constant 0 : index
    %get3A_17 = arith.constant 0 : index
    %get3A_18 = vector.load %arg6[%get3A_16, %get3A_17] : memref<1x256xf32, #tpu.memory_space<vmem>>, vector<1x256xf32>
    %add3A_19 = vector.broadcast %get3A_18 : vector<1x256xf32> to vector<512x256xf32>
    %add3A_20 = arith.addf %mul3A_15, %add3A_19 : vector<512x256xf32>
    %max3A = arith.constant 0.000000e+00 : f32
    %max3A_21 = vector.broadcast %max3A : f32 to vector<512x256xf32>
    %max3A_22 = arith.maximumf %add3A_20, %max3A_21 : vector<512x256xf32>
    %get3A_23 = arith.constant 0 : index
    %get3A_24 = arith.constant 0 : index
    %get3A_25 = vector.load %arg7[%get3A_23, %get3A_24] : memref<256x128xf32, #tpu.memory_space<vmem>>, vector<256x128xf32>
    %dot_general3A = arith.constant dense<0.000000e+00> : vector<512x128xf32>
    %dot_general3A_26 = tpu.matmul %max3A_22, %get3A_25, %dot_general3A {dimension_numbers = #tpu.dot_dimension_numbers<[1], [0], [0], [1], [0, 0, 1, 1], [], []>, transpose_lhs_hint = false} : vector<512x256xf32>, vector<256x128xf32>, vector<512x128xf32> -> vector<512x128xf32>
    %get3A_27 = arith.constant 0 : index
    %get3A_28 = arith.constant 0 : index
    %get3A_29 = vector.load %arg8[%get3A_27, %get3A_28] : memref<1x128xf32, #tpu.memory_space<vmem>>, vector<1x128xf32>
    %add3A_30 = vector.broadcast %get3A_29 : vector<1x128xf32> to vector<512x128xf32>
    %add3A_31 = arith.addf %dot_general3A_26, %add3A_30 : vector<512x128xf32>
    %iota3A = tpu.iota {dimensions = array<i32: 1>} : vector<512x128xi32>
    %lt3A = arith.constant 3 : i32
    %lt3A_32 = vector.broadcast %lt3A : i32 to vector<512x128xi32>
    %lt3A_33 = arith.cmpi slt, %iota3A, %lt3A_32 : vector<512x128xi32>
    %jit3A = arith.constant -1.000000e+30 : f32
    %broadcast_in_dim3A = vector.broadcast %jit3A : f32 to vector<512x128xf32>
    %select_n3A = arith.select %lt3A_33, %add3A_31, %broadcast_in_dim3A : vector<512x128xi1>, vector<512x128xf32>
    %reduce_max3A = arith.constant dense<0xFF800000> : vector<512xf32>
    %reduce_max3A_34 = vector.multi_reduction <maximumf>, %select_n3A, %reduce_max3A [1] : vector<512x128xf32> to vector<512xf32>
    %broadcast_in_dim3A_35 = vector.shape_cast %reduce_max3A_34 : vector<512xf32> to vector<512x1xf32>
    %sub3A = vector.broadcast %broadcast_in_dim3A_35 : vector<512x1xf32> to vector<512x128xf32>
    %sub3A_36 = arith.subf %add3A_31, %sub3A : vector<512x128xf32>
    %exp3A = math.exp %sub3A_36 : vector<512x128xf32>
    %jit3A_37 = arith.constant 0.000000e+00 : f32
    %broadcast_in_dim3A_38 = vector.broadcast %jit3A_37 : f32 to vector<512x128xf32>
    %select_n3A_39 = arith.select %lt3A_33, %exp3A, %broadcast_in_dim3A_38 : vector<512x128xi1>, vector<512x128xf32>
    %reduce_sum3A = arith.constant dense<0.000000e+00> : vector<512xf32>
    %reduce_sum3A_40 = vector.multi_reduction <add>, %select_n3A_39, %reduce_sum3A [1] : vector<512x128xf32> to vector<512xf32>
    %broadcast_in_dim3A_41 = vector.shape_cast %reduce_sum3A_40 : vector<512xf32> to vector<512x1xf32>
    %log3A = math.log %broadcast_in_dim3A_41 : vector<512x1xf32>
    %add3A_42 = arith.addf %broadcast_in_dim3A_35, %log3A : vector<512x1xf32>
    %sub3A_43 = vector.broadcast %add3A_42 : vector<512x1xf32> to vector<512x128xf32>
    %sub3A_44 = arith.subf %add3A_31, %sub3A_43 : vector<512x128xf32>
    %swap3A = arith.constant 0 : index
    %swap3A_45 = arith.constant 0 : index
    %swap3A_46 = vector.load %arg9[%swap3A, %swap3A_45] : memref<512x128xf32, #tpu.memory_space<vmem>>, vector<512x128xf32>
    tpu.vector_store %arg9[%swap3A, %swap3A_45], %sub3A_44 {strides = array<i32>} : memref<512x128xf32, #tpu.memory_space<vmem>>, vector<512x128xf32>,
    return
  }
  func.func @transform_0(%arg0: i32) -> (i32, i32) {
    %c0_i32 = arith.constant 0 : i32
    %c0_i32_0 = arith.constant 0 : i32
    return %arg0, %c0_i32 : i32, i32
  }
  func.func @transform_1(%arg0: i32) -> (i32, i32) {
    %add3A = arith.constant 20 : i32
    %add3A_0 = arith.addi %arg0, %add3A : i32
    %c0_i32 = arith.constant 0 : i32
    %c0_i32_1 = arith.constant 0 : i32
    return %add3A_0, %c0_i32 : i32, i32
  }
  func.func @transform_2(%arg0: i32) -> (i32, i32) {
    %c0_i32 = arith.constant 0 : i32
    %c0_i32_0 = arith.constant 0 : i32
    return %arg0, %c0_i32 : i32, i32
  }
  func.func @transform_3(%arg0: i32) -> (i32, i32) {
    %c0_i32 = arith.constant 0 : i32
    %c0_i32_0 = arith.constant 0 : i32
    return %arg0, %c0_i32 : i32, i32
  }
  func.func @transform_4(%arg0: i32) -> (i32, i32) {
    %c0_i32 = arith.constant 0 : i32
    %c0_i32_0 = arith.constant 0 : i32
    return %arg0, %c0_i32 : i32, i32
  }
  func.func @transform_5(%arg0: i32) -> (i32, i32) {
    %c0_i32 = arith.constant 0 : i32
    %c0_i32_0 = arith.constant 0 : i32
    %c0_i32_1 = arith.constant 0 : i32
    return %c0_i32, %c0_i32_0 : i32, i32
  }
  func.func @transform_6(%arg0: i32) -> (i32, i32) {
    %c0_i32 = arith.constant 0 : i32
    %c0_i32_0 = arith.constant 0 : i32
    %c0_i32_1 = arith.constant 0 : i32
    return %c0_i32, %c0_i32_0 : i32, i32
  }
  func.func @transform_7(%arg0: i32) -> (i32, i32) {
    %c0_i32 = arith.constant 0 : i32
    %c0_i32_0 = arith.constant 0 : i32
    %c0_i32_1 = arith.constant 0 : i32
    return %c0_i32, %c0_i32_0 : i32, i32
  }
  func.func @transform_8(%arg0: i32) -> (i32, i32) {
    %c0_i32 = arith.constant 0 : i32
    %c0_i32_0 = arith.constant 0 : i32
    return %arg0, %c0_i32 : i32, i32
  }
}

</mosaic_0001>

<sc_bundles>
// kernel: kernel.11.cloned.1.call-start
scs
__scs_entry_jumppad:
0x0: {  	(pc) =	sbr.rel $0x88, $3  }
0x1: {  	(tag) =	ssettag $0x0;
	lr =	simm.s32 $0x1  }
0x2: {  	[smem:$0x3F99] =	sst lr;
	_ =	strace $0xD0000000  }
0x3: {  	_ = 	snop  }
0x4: {  	_ = 	snop  }
0x5: {  	_ = 	snop  }
0x6: {  	_ = 	snop  }
0x7: {  	_ = 	snop  }
__scs_overlays_trampoline_lowered:
0x8: {  	[smem:$0x3FA8] =	sst s0  }
0x9: {  	[smem:$0x3FA9] =	sst s1  }
0xa: {  	[smem:$0x3FAA] =	sst s2  }
0xb: {  	[smem:$0x3FAB] =	sst s3  }
0xc: {  	[smem:$0x3FAC] =	sst s4  }
0xd: {  	[smem:$0x3FAD] =	sst s5  }
0xe: {  	[smem:$0x3FAE] =	sst s6  }
0xf: {  	[smem:$0x3FAF] =	sst s7  }
0x10: {  	[smem:$0x3FB0] =	sst s8  }
0x11: {  	[smem:$0x3FB1] =	sst s9;
	s0 =	simm.s32 @!p0 $0x0  }
0x12: {  	s1 =	sld [smem:$0x3F97];
	s0 =	simm.s32 @p0 $0x1  }
0x13: {  	[smem:$0x3FB2] =	sst s0;
	s0 =	simm.s32 @!p1 $0x0  }
0x14: {  	s2 =	sld [smem:$0x3F96];
	s0 =	simm.s32 @p1 $0x1  }
0x15: {  	[smem:$0x3FB3] =	sst s0;
	s0 =	simm.s32 @!p2 $0x0  }
0x16: {  	s3 =	sld [smem:$0x3FDB];
	s0 =	simm.s32 @p2 $0x1  }
0x17: {  	s4 =	simm.s32 $0x1BF5;
	[smem:$0x3FB5] =	sst s0  }
0x18: {  	s0 =	sld [smem:$0x3F98];
	_ =	swait.ge [sflag:s4], $0x0  }
0x19: {  	s7 =	sld [smem:$0x3F99]  }
0x1a: {  	s8 =	sadd.s32 $0xFFFFE003, lr  }
0x1b: {  	s9 =	sadd.s32 $0xFFFFFEF7, lr;
	s5 =	simm.s32 $0xFFFFFFFF;
	p2 =	slt.u32 s8, $0xFFFFF086  }
0x1c: {  	p1 =	slt.u32 s9, $0xF7A;
	s5 =	simm.s32 @!p2 $0x0  }
0x1d: {  	s5 =	simm.s32 @p1 $0x1;
	p0 =	seq.s32 s7, s2  }
0x1e: {  	s7 =	smul.u32 @!p0 $0xF7A, s2;
	p2 =	seq.s32 @!p0 s5, $0x0  }
0x1f: {  	s9 =	smul.u32 $0xF7A, s1;
	s8 =	simm.s32 @!p0 $0x1BF5;
	p2 =	por !p2, p0  }
0x20: {  	[sflag:s8] =	ssyncset.s32 @!p0 $0xFFFFF086;
	s6 =	sadd.s32 @!p0 s3, s7;
	s7 =	simm.s32 @!p0 $0x108  }
0x21: {  	s3 =	sadd.s32 s3, s9;
	s6 =	sadd.s32 @!p0 $0x88, s6;
	s7 =	simm.s32 @p2 $0x1082  }
0x22: {  	[simem:s7], [sflag:s8] =	dma.local @!p0 [hbm:s6], $0xF7A  }
0x23: {  	s9 =	sor.u32 $0xD0000000, s2;
	s6 =	simm.s32 $0x108;
	_ =	swait.ge @!p0 [sflag:s8], $0x0  }
0x24: {  	s3 =	sadd.s32 $0x88, s3;
	s6 =	simm.s32 @!p1 $0x1082;
	[sflag:s4] =	ssyncset.s32 $0xFFFFF086  }
0x25: {  	[simem:s6], [sflag:s4] =	dma.local [hbm:s3], $0xF7A  }
0x26: {  	[smem:$0x3F99] =	sst s1;
	(tag) =	ssettag s2;
	_ =	strace s9  }
0x27: {  	s1 =	sld [smem:$0x3FA9]  }
0x28: {  	s2 =	sld [smem:$0x3FAA]  }
0x29: {  	s4 =	sld [smem:$0x3FAC]  }
0x2a: {  	p0 =	seq.s32 s5, $0x0;
	s5 =	sld [smem:$0x3FAD]  }
0x2b: {  	s6 =	sld [smem:$0x3FAE]  }
0x2c: {  	s7 =	sld [smem:$0x3FAF]  }
0x2d: {  	s3 =	simm.s32 $0x108;
	s8 =	sld [smem:$0x3FB0]  }
0x2e: {  	s3 =	simm.s32 @!p0 $0x1082;
	s9 =	sld [smem:$0x3FB1]  }
0x2f: {  	lr =	sadd.s32 s0, s3;
	s0 =	sld [smem:$0x3FA8]  }
0x30: {  	s3 =	sld [smem:$0x3FAB]  }
0x31: {  	[smem:$0x3FB4] =	sst s10  }
0x32: {  	s10 =	sld [smem:$0x3FB2];
	_ =	sdelay $0x3  }
0x33: {  	p0 =	seq.s32 s10, $0x1;
	s10 =	sld [smem:$0x3FB4];
	_ =	sdelay $0x3  }
0x34: {  	[smem:$0x3FB4] =	sst s10  }
0x35: {  	s10 =	sld [smem:$0x3FB3];
	_ =	sdelay $0x3  }
0x36: {  	p1 =	seq.s32 s10, $0x1;
	s10 =	sld [smem:$0x3FB4];
	_ =	sdelay $0x3  }
0x37: {  	[smem:$0x3FB4] =	sst s10  }
0x38: {  	s10 =	sld [smem:$0x3FB5]  }
0x39: {  	_ = 	snop;
	(pc) =	sbr.ind lr, $3  }
0x3a: {  	_ = 	snop  }
0x3b: {  	_ = 	snop  }
0x3c: {  	p2 =	seq.s32 s10, $0x1;
	s10 =	sld [smem:$0x3FB4]  }
0x3d: {  	_ =	shalt  }
0x3e: {  	_ =	shalt  }
0x3f: {  	_ =	shalt  }
0x40: {  	_ =	shalt  }
0x41: {  	_ =	shalt  }
0x42: {  	_ =	shalt  }
0x43: {  	_ =	shalt  }
0x44: {  	_ =	shalt  }
0x45: {  	_ =	shalt  }
0x46: {  	_ =	shalt  }
0x47: {  	_ =	shalt  }
0x48: {  	_ =	shalt  }
0x49: {  	_ =	shalt  }
0x4a: {  	_ =	shalt  }
0x4b: {  	_ =	shalt  }
0x4c: {  	_ =	shalt  }
0x4d: {  	_ =	shalt  }
0x4e: {  	_ =	shalt  }
0x4f: {  	_ =	shalt  }
0x50: {  	_ =	shalt  }
0x51: {  	_ =	shalt  }
0x52: {  	_ =	shalt  }
0x53: {  	_ =	shalt  }
0x54: {  	_ =	shalt  }
0x55: {  	_ =	shalt  }
0x56: {  	_ =	shalt  }
0x57: {  	_ =	shalt  }
0x58: {  	_ =	shalt  }
0x59: {  	_ =	shalt  }
0x5a: {  	_ =	shalt  }
0x5b: {  	_ =	shalt  }
0x5c: {  	_ =	shalt  }
0x5d: {  	_ =	shalt  }
0x5e: {  	_ =	shalt  }
0x5f: {  	_ =	shalt  }
0x60: {  	_ =	shalt  }
0x61: {  	_ =	shalt  }
0x62: {  	_ =	shalt  }
0x63: {  	_ =	shalt  }
0x64: {  	_ =	shalt  }
0x65: {  	_ =	shalt  }
0x66: {  	_ =	shalt  }
0x67: {  	_ =	shalt  }
0x68: {  	_ =	shalt  }
0x69: {  	_ =	shalt  }
0x6a: {  	_ =	shalt  }
0x6b: {  	_ =	shalt  }
0x6c: {  	_ =	shalt  }
0x6d: {  	_ =	shalt  }
0x6e: {  	_ =	shalt  }
0x6f: {  	_ =	shalt  }
0x70: {  	_ =	shalt  }
0x71: {  	_ =	shalt  }
0x72: {  	_ =	shalt  }
0x73: {  	_ =	shalt  }
0x74: {  	_ =	shalt  }
0x75: {  	_ =	shalt  }
0x76: {  	_ =	shalt  }
0x77: {  	_ =	shalt  }
0x78: {  	_ =	shalt  }
0x79: {  	_ =	shalt  }
0x7a: {  	_ =	shalt  }
0x7b: {  	_ =	shalt  }
0x7c: {  	_ =	shalt  }
0x7d: {  	_ =	shalt  }
0x7e: {  	_ =	shalt  }
0x7f: {  	_ =	shalt  }
0x80: {  	_ =	shalt  }
0x81: {  	_ =	shalt  }
0x82: {  	_ =	shalt  }
0x83: {  	_ =	shalt  }
0x84: {  	_ =	shalt  }
0x85: {  	_ =	shalt  }
0x86: {  	_ =	shalt  }
0x87: {  	_ =	shalt  }
.Lfunc_end0:
.L_simem_size_0:
called_computation.1_lowered:
.L_overlay_start_0:
0x88: {  	s2 =	sld [smem:$0x3FD9]  }
0x89: {  	s3 =	sld [smem:$0x3FFE];
	_ =	sdelay $0x1  }
0x8a: {  	s1 =	srdreg.scid  }
0x8b: {  	s0 =	sand.u32 $0x1, s1  }
0x8c: {  	s16 =	sshll.u32 s0, $0xA;
	s2 =	sadd.s32 s3, s2  }
0x8d: {  	s2 =	sadd.s32 s2, s16  }
0x8e: {  	[smem:$0x3FC0] =	sst s2  }
0x8f: {  	_ = 	snop  }
0x90: {  	(tm) =	ssettm $0x1  }
0x91: {  	s17 =	sld [smem:$0x3FFB];
	_ =	sdelay $0x3  }
0x92: {  	_ =	strace s17  }
0x93: {  	s2 =	sld [smem:$0x3FFC];
	_ =	sdelay $0x3  }
0x94: {  	_ =	strace s2  }
0x95: {  	s2 =	sld [smem:$0x3FFD];
	_ =	sdelay $0x3  }
0x96: {  	_ =	strace s2  }
0x97: {  	_ =	strace $0x8FFFFFFF  }
0x98: {  	s18 =	sld [smem:$0x3FDB];
	_ =	sdelay $0x1  }
0x99: {  	s19 =	simm.s32 $_scs_section_size  }
0x9a: {  	s4 =	simm.s32 $_size__tile_overlayer_lowered;
	s5 =	simm.s32 $_tile_overlayer_lowered  }
0x9b: {  	s22 =	simm.s32 $0x1BFF;
	s21 =	sshll.u32 s5, $0x1;
	s2 =	sadd.s32 s19, s18  }
0x9c: {  	s6 =	simm.s32 $0x0;
	s20 =	sshll.u32 s4, $0x1;
	s4 =	sadd.s32 s21, s2  }
0x9d: {  	[timem:s6], [sflag:s22] =	dma.local [hbm:s4], s20  }
0x9e: {  	_ =	swait.ge [sflag:s22], s20  }
0x9f: {  	s3 =	ssub.s32 $0x0, s20;
	[sflag:s22] =	ssyncset.done $0x0  }
0xa0: {  	[sflag:s22] =	ssyncadd.s32 s3;
	_ =	sdelay $0x1  }
0xa1: {  	s23 =	simm.s32 $0x1B8B  }
0xa2: {  	_ =	swait.ge [sflag:s23], $0x1  }
0xa3: {  	[sflag:s23] =	ssyncset.done $0x0  }
0xa4: {  	s25 =	simm.s32 $0x1B8E;
	s24 =	sld [smem:$0x3FFE];
	[sflag:s23] =	ssyncadd.s32 $0xFFFFFFFF  }
0xa5: {  	s26 =	simm.s32 $execute0_lowered;
	[smem:$0x3FD2] =	sst s25  }
0xa6: {  	s4 =	sshll.u32 s26, $0x1;
	_ =	strace $0x80000049;
	[dreg:$0x1] =	wrdreg $0xFFFFFFFF  }
0xa7: {  	s28 =	simm.s32 $_size_execute0_lowered;
	s2 =	sadd.s32 s2, s4;
	[dreg:$0x0] =	wrdreg $0x0  }
0xa8: {  	s4 =	sshll.u32 s28, $0x1;
	[dreg:$0x2] =	wrdreg s2  }
0xa9: {  	[dreg:$0x3] =	wrdreg s4  }
0xaa: {  	[dreg:$0x4] =	wrdreg $0xC0  }
0xab: {  	_ =	task [dreg:s6], $0x5FFFF  }
0xac: {  	[dreg:$0x1] =	wrdreg $0xFFFFFFFF  }
0xad: {  	[dreg:$0x0] =	wrdreg $0x60  }
0xae: {  	[dreg:$0x2] =	wrdreg s24  }
0xaf: {  	[dreg:$0x3] =	wrdreg $0xA0000  }
0xb0: {  	[dreg:$0x4] =	wrdreg $0x9  }
0xb1: {  	_ =	task.clear_ibuf [dreg:s6], $0x5FFFF;
	_ =	strace $0x90000049  }
0xb2: {  	s29 =	simm.s32 $0x9;
	_ =	strace $0x8000004B  }
0xb3: {  	_ =	swait.ge [sflag:s29], $0x1  }
0xb4: {  	[sflag:s29] =	ssyncadd.s32 $0xFFFFFFFF  }
0xb5: {  	_ =	strace $0x9000004B  }
0xb6: {  	_ =	sfence  }
0xb7: {  	s30 =	sld [smem:$0x0];
	_ =	sdelay $0x2  }
0xb8: {  	s31 =	sshll.u32 s1, $0xD;
	s1 =	sshrl.u32 s1, $0x2  }
0xb9: {  	s3 =	sand.u32 $0x4000, s31;
	s1 =	sadd.s32 s1, s30  }
0xba: {  	s0 =	sor.u32 s3, s0;
	s1 =	sshll.u32 s1, $0x11  }
0xbb: {  	s0 =	sor.u32 s1, s0  }
0xbc: {  	s0 =	sadd.s32 $0x8F2B, s0  }
0xbd: {  	[sflag:s0] =	ssyncadd.remote.s32 $0x1  }
0xbe: {  	_ =	sfence.sel $0xFFFF  }
0xbf: {  	[dreg:$0x0] =	wrdreg $0xFFFFFFFF;
	(pc) =	sbr.abs _section_cstart, $3  }
0xc0: {  	[dreg:$0x1] =	wrdreg $0xFFFFFFFF  }
0xc1: {  	_ =	task.clear_ibuf [dreg:s6], $0x2FFFF;
	_ =	strace $0x9FFFFFFF  }
0xc2: {  	(tm) =	ssettm $0x7FFFFFFF  }
0xc3: {  	_ =	shalt  }
tec
execute0_lowered:
.L_overlay_start_1:
0x0: {  	(tag) =	ssettag $0x1  }
0x1: {  	s8 =	rddreg [dreg:$0x0]  }
0x2: {  	s2 =	rddreg [dreg:$0x1]  }
0x3: {  	s0 =	rddreg [dreg:$0x2];
	s3 =	simm.s32 $0x0  }
0x4: {  	s1 =	stileid.u32;
	s4 =	srdreg.scid;
	s15 =	simm.s32 $0x1000  }
0x5: {  	s16 =	simm.s32 $0x80;
	s17 =	simm.s32 $0x2000;
	s18 =	simm.s32 $0x6000  }
0x6: {  	s19 =	simm.s32 $0x1;
	s20 =	simm.s32 $0x2;
	s21 =	simm.s32 $0xF80  }
0x7: {  	s22 =	simm.s32 $0x1F00;
	s23 =	simm.s32 $0x1F80;
	[smem:$0x7FF] =	sst s3  }
0x8: {  	s9 =	smul.u32 $0x2800, s1;
	s10 =	sand.u32 $0x1, s4;
	s4 =	sadd.s32 $0x35600, s8  }
0x9: {  	s5 =	sadd.s32 $0x5D600, s8;
	s6 =	sadd.s32 $0x85600, s8;
	s13 =	smul.u32 $0x50000, s1  }
0xa: {  	s7 =	sadd.s32 $0x3600, s8;
	s31 =	sshll.u32 s1, $0x6;
	s11 =	smul.u32 $0x28000, s10  }
0xb: {  	s12 =	ssub.s32 $0x2, s10;
	p0 =	seq.s32 s10, $0x1;
	s10 =	smul.u32 $0x5000, s1  }
.Ltmp0:
0xc: {  	_ =	strace $0x8000004A;
	s29 =	sshrl.u32 s12, $0x1;
	(pc) =	sbr.rel .LBB2_1-.Ltmp0, $4  }
0xd: {  	s30 =	sshrl.u32 s13, $0x2;
	s11 =	sadd.s32 s9, s11;
	s9 =	sadd.s32 s9, s8  }
0xe: {  	s12 =	ssub.s32 s12, s29;
	s14 =	sadd.s32 s30, s2;
	s11 =	sadd.s32 s11, s8  }
0xf: {  	s8 =	sadd.s32 $0xD600, s9;
	s9 =	sor.u32 $0x1C03, s31;
	s12 =	smax.u32 s12, $0x1  }
0x10: {  	s13 =	sshrl.u32 s14, $0x3;
	s14 =	simm.s32 $0x3;
	s11 =	sadd.s32 $0xB7600, s11  }
.LBB2_8:
0x11: {  	s3 =	sadd.s32 $0x1, s3  }
0x12: {  	p1 =	sne.s32 s3, s12  }
.Ltmp1:
0x13: {  	[bflag:$0x0] =	sbarrier.arrive $0xFFFF;
	(pc) =	sbr.rel @!p1 .LBB2_9-.Ltmp1, $4  }
0x14: {  	[hbm:s11], [sflag:s9] =	dma.local [spmem:s13], $0x2800  }
0x15: {  	_ =	swait.ge [sflag:s14], $0x2800  }
0x16: {  	[sflag:s14] =	ssyncset.done $0x0  }
0x17: {  	[sflag:s14] =	ssyncadd.s32 $0xFFFFD800  }
.LBB2_1:
0x18: {  	[spmem:s13], [sflag:s9] =	dma.local [hbm:s8], $0x2800  }
.Ltmp2:
0x19: {  	_ =	swait.ge [sflag:s14], $0x2800;
	(pc) =	sbr.rel @!p0 .LBB2_2-.Ltmp2, $4  }
0x1a: {  	[sflag:s14] =	ssyncset.done $0x0  }
0x1b: {  	[sflag:s14] =	ssyncadd.s32 $0xFFFFD800  }
0x1c: {  	[bflag:$0x0] =	sbarrier.arrive $0xFFFF  }
0x1d: {  	s24 =	simm.s32 $0x0;
	s25 =	simm.s32 $0x0  }
.LBB2_5:
0x1e: {  	s24 =	sshll.u32 s25, $0xC  }
0x1f: {  	s24 =	sadd.s32 s10, s24  }
0x20: {  	s24 =	sshrl.u32 s24, $0x3  }
0x21: {  	s28 =	simm.s32 $0x0;
	s26 =	sadd.s32 s6, s24  }
0x22: {  	[tilespmem:s28], [sflag:$0x3] =	stream.linear.gather [hbm4b:s26+s28], $0x1000, $0x38;
	[tilespmem:$0x1E000] =	vst v63  }
0x23: {  	_ =	swait.ge [sflag:s14], $0x1000  }
0x24: {  	[sflag:s14] =	ssyncset.done $0x0  }
0x25: {  	s24 =	sadd.s32 s7, s24;
	[sflag:s14] =	ssyncadd.s32 $0xFFFFF000  }
0x26: {  	[tilespmem:s15], [sflag:$0x3] =	stream.linear.gather [hbm4b:s24+s28], $0x1000, $0x38;
	[tilespmem:$0x1E000] =	vst v63  }
0x27: {  	_ =	swait.ge [sflag:s14], $0x1000  }
0x28: {  	[sflag:s14] =	ssyncset.done $0x0  }
0x29: {  	[sflag:s14] =	ssyncadd.s32 $0xFFFFF000  }
0x2a: {  	[tilespmem:s17], [sflag:$0x1] =	stream.indirect.gather [hbm4b:s5+s16], $0x80, s28, s16, $0xb8;
	[tilespmem:$0x1E000] =	vst v63  }
0x2b: {  	s28 =	simm.s32 $0x80  }
0x2c: {  	[tilespmem:s18], [sflag:$0x2] =	stream.indirect.gather [hbm4b:s5+s16], $0x80, s28, s16, $0xb8;
	[tilespmem:$0x1E000] =	vst v63  }
0x2d: {  	_ =	swait.ge [sflag:s19], $0x4000  }
0x2e: {  	[sflag:s19] =	ssyncset.done $0x0  }
0x2f: {  	s29 =	simm.s32 $0x1000;
	[sflag:s19] =	ssyncadd.s32 $0xFFFFC000  }
0x30: {  	[spmem:s2] =	stream.indirect.scatter.add.f32 [tilespmem:s17], [sflag:$0x3], $0x80, s29, s16, $0xb8;
	[tilespmem:$0x1E000] =	vst v63  }
0x31: {  	_ =	swait.ge [sflag:s14], $0x4000  }
0x32: {  	[sflag:s14] =	ssyncset.done $0x0  }
0x33: {  	s30 =	simm.s32 $0x100;
	[sflag:s14] =	ssyncadd.s32 $0xFFFFC000  }
0x34: {  	[tilespmem:s17], [sflag:$0x1] =	stream.indirect.gather [hbm4b:s5+s16], $0x80, s30, s16, $0xb8;
	[tilespmem:$0x1E000] =	vst v63  }
0x35: {  	_ =	swait.ge [sflag:s20], $0x4000  }
0x36: {  	[sflag:s20] =	ssyncset.done $0x0  }
0x37: {  	s31 =	simm.s32 $0x1080;
	[sflag:s20] =	ssyncadd.s32 $0xFFFFC000  }
0x38: {  	[spmem:s2] =	stream.indirect.scatter.add.f32 [tilespmem:s18], [sflag:$0x3], $0x80, s31, s16, $0xb8;
	[tilespmem:$0x1E000] =	vst v63  }
0x39: {  	_ =	swait.ge [sflag:s14], $0x4000  }
0x3a: {  	s26 =	simm.s32 $0x800;
	s24 =	simm.s32 $0x100;
	[sflag:s14] =	ssyncset.done $0x0  }
.LBB2_6:
0x3b: {  	s28 =	sadd.s32 $0x80, s24  }
0x3c: {  	[sflag:s14] =	ssyncadd.s32 $0xFFFFC000;
	s29 =	smov.u32 s26;
	s30 =	sadd.s32 $0x400, s26  }
0x3d: {  	[tilespmem:s18], [sflag:$0x2] =	stream.indirect.gather [hbm4b:s5+s16], $0x80, s28, s16, $0xb8;
	[tilespmem:$0x1E000] =	vst v63  }
0x3e: {  	p1 =	sne.s32 s26, $0x3800;
	_ =	swait.ge [sflag:s19], $0x4000  }
0x3f: {  	[sflag:s19] =	ssyncset.done $0x0  }
0x40: {  	s26 =	sadd.s32 $0x1000, s24;
	[sflag:s19] =	ssyncadd.s32 $0xFFFFC000  }
0x41: {  	[spmem:s2] =	stream.indirect.scatter.add.f32 [tilespmem:s17], [sflag:$0x3], $0x80, s26, s16, $0xb8;
	[tilespmem:$0x1E000] =	vst v63  }
0x42: {  	_ =	swait.ge [sflag:s14], $0x4000  }
0x43: {  	[sflag:s14] =	ssyncset.done $0x0  }
0x44: {  	s26 =	sadd.s32 $0x100, s24;
	[sflag:s14] =	ssyncadd.s32 $0xFFFFC000  }
0x45: {  	[tilespmem:s17], [sflag:$0x1] =	stream.indirect.gather [hbm4b:s5+s16], $0x80, s26, s16, $0xb8;
	[tilespmem:$0x1E000] =	vst v63  }
0x46: {  	_ =	swait.ge [sflag:s20], $0x4000  }
.Ltmp3:
0x47: {  	[sflag:s20] =	ssyncset.done $0x0;
	(pc) =	sbr.rel @p1 .LBB2_6-.Ltmp3, $4  }
0x48: {  	s24 =	sadd.s32 $0x1080, s24;
	[sflag:s20] =	ssyncadd.s32 $0xFFFFC000  }
0x49: {  	[spmem:s2] =	stream.indirect.scatter.add.f32 [tilespmem:s18], [sflag:$0x3], $0x80, s24, s16, $0xb8;
	[tilespmem:$0x1E000] =	vst v63  }
0x4a: {  	_ =	swait.ge [sflag:s14], $0x4000  }
0x4b: {  	s26 =	smov.u32 s30;
	s24 =	sshra.s32 s29, $0x2;
	[sflag:s14] =	ssyncset.done $0x0  }
0x4c: {  	s26 =	sadd.s32 $0x80, s24;
	[sflag:s14] =	ssyncadd.s32 $0xFFFFC000  }
0x4d: {  	[tilespmem:s18], [sflag:$0x2] =	stream.indirect.gather [hbm4b:s5+s16], $0x80, s26, s16, $0xb8;
	[tilespmem:$0x1E000] =	vst v63  }
0x4e: {  	_ =	swait.ge [sflag:s19], $0x4000  }
0x4f: {  	[sflag:s19] =	ssyncset.done $0x0  }
0x50: {  	s29 =	sadd.s32 $0x1000, s24;
	[sflag:s19] =	ssyncadd.s32 $0xFFFFC000  }
0x51: {  	[spmem:s2] =	stream.indirect.scatter.add.f32 [tilespmem:s17], [sflag:$0x3], $0x80, s29, s16, $0xb8;
	[tilespmem:$0x1E000] =	vst v63  }
0x52: {  	_ =	swait.ge [sflag:s14], $0x4000  }
0x53: {  	[sflag:s14] =	ssyncset.done $0x0  }
0x54: {  	s30 =	sadd.s32 $0x100, s24;
	[sflag:s14] =	ssyncadd.s32 $0xFFFFC000  }
0x55: {  	[tilespmem:s17], [sflag:$0x1] =	stream.indirect.gather [hbm4b:s5+s16], $0x80, s30, s16, $0xb8;
	[tilespmem:$0x1E000] =	vst v63  }
0x56: {  	_ =	swait.ge [sflag:s20], $0x4000  }
0x57: {  	[sflag:s20] =	ssyncset.done $0x0  }
0x58: {  	s31 =	sadd.s32 $0x1080, s24;
	[sflag:s20] =	ssyncadd.s32 $0xFFFFC000  }
0x59: {  	[spmem:s2] =	stream.indirect.scatter.add.f32 [tilespmem:s18], [sflag:$0x3], $0x80, s31, s16, $0xb8;
	[tilespmem:$0x1E000] =	vst v63  }
0x5a: {  	_ =	swait.ge [sflag:s14], $0x4000  }
0x5b: {  	[sflag:s14] =	ssyncset.done $0x0  }
0x5c: {  	[sflag:s14] =	ssyncadd.s32 $0xFFFFC000  }
0x5d: {  	[tilespmem:s18], [sflag:$0x2] =	stream.indirect.gather [hbm4b:s5+s16], $0x80, s21, s16, $0xb8;
	[tilespmem:$0x1E000] =	vst v63  }
0x5e: {  	_ =	swait.ge [sflag:s19], $0x4000  }
0x5f: {  	[sflag:s19] =	ssyncset.done $0x0  }
0x60: {  	[sflag:s19] =	ssyncadd.s32 $0xFFFFC000  }
0x61: {  	[spmem:s2] =	stream.indirect.scatter.add.f32 [tilespmem:s17], [sflag:$0x3], $0x80, s22, s16, $0xb8;
	[tilespmem:$0x1E000] =	vst v63  }
0x62: {  	_ =	swait.ge [sflag:s14], $0x4000  }
0x63: {  	[sflag:s14] =	ssyncset.done $0x0  }
0x64: {  	[sflag:s14] =	ssyncadd.s32 $0xFFFFC000  }
0x65: {  	[tilespmem:s17], [sflag:$0x1] =	stream.indirect.gather [hbm4b:s5+s16], $0x80, s21, s16, $0xb8;
	[tilespmem:$0x1E000] =	vst v63  }
0x66: {  	_ =	swait.ge [sflag:s20], $0x4000  }
0x67: {  	[sflag:s20] =	ssyncset.done $0x0  }
0x68: {  	s25 =	sadd.s32 $0x1, s25;
	[sflag:s20] =	ssyncadd.s32 $0xFFFFC000  }
0x69: {  	[spmem:s2] =	stream.indirect.scatter.add.f32 [tilespmem:s18], [sflag:$0x3], $0x80, s23, s16, $0xb8;
	[tilespmem:$0x1E000] =	vst v63  }
0x6a: {  	p1 =	sne.s32 s25, $0x5;
	_ =	swait.ge [sflag:s14], $0x4000  }
.Ltmp4:
0x6b: {  	[sflag:s14] =	ssyncset.done $0x0;
	(pc) =	sbr.rel @p1 .LBB2_5-.Ltmp4, $4  }
.Ltmp5:
0x6c: {  	[sflag:s14] =	ssyncadd.s32 $0xFFFFC000;
	(pc) =	sbr.rel @!p1 .LBB2_8-.Ltmp5, $4  }
0x6d: {  	_ =	swait.ge [sflag:s19], $0x4000  }
0x6e: {  	[sflag:s19] =	ssyncset.done $0x0  }
0x6f: {  	[sflag:s19] =	ssyncadd.s32 $0xFFFFC000  }
0x70: {  	_ = 	snop  }
.LBB2_2:
0x71: {  	s25 =	sshll.u32 s24, $0xC  }
0x72: {  	s25 =	sadd.s32 s10, s25  }
0x73: {  	s25 =	sshrl.u32 s25, $0x3  }
0x74: {  	s28 =	simm.s32 $0x0;
	s26 =	sadd.s32 s6, s25  }
0x75: {  	[tilespmem:s28], [sflag:$0x3] =	stream.linear.gather [hbm4b:s26+s28], $0x1000, $0x38;
	[tilespmem:$0x1E000] =	vst v63  }
0x76: {  	_ =	swait.ge [sflag:s14], $0x1000  }
0x77: {  	[sflag:s14] =	ssyncset.done $0x0  }
0x78: {  	s25 =	sadd.s32 s7, s25;
	[sflag:s14] =	ssyncadd.s32 $0xFFFFF000  }
0x79: {  	[tilespmem:s15], [sflag:$0x3] =	stream.linear.gather [hbm4b:s25+s28], $0x1000, $0x38;
	[tilespmem:$0x1E000] =	vst v63  }
0x7a: {  	_ =	swait.ge [sflag:s14], $0x1000  }
0x7b: {  	[sflag:s14] =	ssyncset.done $0x0  }
0x7c: {  	[sflag:s14] =	ssyncadd.s32 $0xFFFFF000  }
0x7d: {  	[tilespmem:s17], [sflag:$0x1] =	stream.indirect.gather [hbm4b:s4+s16], $0x80, s28, s16, $0xb8;
	[tilespmem:$0x1E000] =	vst v63  }
0x7e: {  	s28 =	simm.s32 $0x80  }
0x7f: {  	[tilespmem:s18], [sflag:$0x2] =	stream.indirect.gather [hbm4b:s4+s16], $0x80, s28, s16, $0xb8;
	[tilespmem:$0x1E000] =	vst v63  }
0x80: {  	_ =	swait.ge [sflag:s19], $0x4000  }
0x81: {  	[sflag:s19] =	ssyncset.done $0x0  }
0x82: {  	s29 =	simm.s32 $0x1000;
	[sflag:s19] =	ssyncadd.s32 $0xFFFFC000  }
0x83: {  	[spmem:s2] =	stream.indirect.scatter.add.f32 [tilespmem:s17], [sflag:$0x3], $0x80, s29, s16, $0xb8;
	[tilespmem:$0x1E000] =	vst v63  }
0x84: {  	_ =	swait.ge [sflag:s14], $0x4000  }
0x85: {  	[sflag:s14] =	ssyncset.done $0x0  }
0x86: {  	s30 =	simm.s32 $0x100;
	[sflag:s14] =	ssyncadd.s32 $0xFFFFC000  }
0x87: {  	[tilespmem:s17], [sflag:$0x1] =	stream.indirect.gather [hbm4b:s4+s16], $0x80, s30, s16, $0xb8;
	[tilespmem:$0x1E000] =	vst v63  }
0x88: {  	_ =	swait.ge [sflag:s20], $0x4000  }
0x89: {  	[sflag:s20] =	ssyncset.done $0x0  }
0x8a: {  	s31 =	simm.s32 $0x1080;
	[sflag:s20] =	ssyncadd.s32 $0xFFFFC000  }
0x8b: {  	[spmem:s2] =	stream.indirect.scatter.add.f32 [tilespmem:s18], [sflag:$0x3], $0x80, s31, s16, $0xb8;
	[tilespmem:$0x1E000] =	vst v63  }
0x8c: {  	_ =	swait.ge [sflag:s14], $0x4000  }
0x8d: {  	s26 =	simm.s32 $0x800;
	s25 =	simm.s32 $0x100;
	[sflag:s14] =	ssyncset.done $0x0  }
.LBB2_3:
0x8e: {  	s28 =	sadd.s32 $0x80, s25  }
0x8f: {  	[sflag:s14] =	ssyncadd.s32 $0xFFFFC000;
	s29 =	smov.u32 s26;
	s30 =	sadd.s32 $0x400, s26  }
0x90: {  	[tilespmem:s18], [sflag:$0x2] =	stream.indirect.gather [hbm4b:s4+s16], $0x80, s28, s16, $0xb8;
	[tilespmem:$0x1E000] =	vst v63  }
0x91: {  	p1 =	sne.s32 s26, $0x3800;
	_ =	swait.ge [sflag:s19], $0x4000  }
0x92: {  	[sflag:s19] =	ssyncset.done $0x0  }
0x93: {  	s26 =	sadd.s32 $0x1000, s25;
	[sflag:s19] =	ssyncadd.s32 $0xFFFFC000  }
0x94: {  	[spmem:s2] =	stream.indirect.scatter.add.f32 [tilespmem:s17], [sflag:$0x3], $0x80, s26, s16, $0xb8;
	[tilespmem:$0x1E000] =	vst v63  }
0x95: {  	_ =	swait.ge [sflag:s14], $0x4000  }
0x96: {  	[sflag:s14] =	ssyncset.done $0x0  }
0x97: {  	s26 =	sadd.s32 $0x100, s25;
	[sflag:s14] =	ssyncadd.s32 $0xFFFFC000  }
0x98: {  	[tilespmem:s17], [sflag:$0x1] =	stream.indirect.gather [hbm4b:s4+s16], $0x80, s26, s16, $0xb8;
	[tilespmem:$0x1E000] =	vst v63  }
0x99: {  	_ =	swait.ge [sflag:s20], $0x4000  }
.Ltmp6:
0x9a: {  	[sflag:s20] =	ssyncset.done $0x0;
	(pc) =	sbr.rel @p1 .LBB2_3-.Ltmp6, $4  }
0x9b: {  	s25 =	sadd.s32 $0x1080, s25;
	[sflag:s20] =	ssyncadd.s32 $0xFFFFC000  }
0x9c: {  	[spmem:s2] =	stream.indirect.scatter.add.f32 [tilespmem:s18], [sflag:$0x3], $0x80, s25, s16, $0xb8;
	[tilespmem:$0x1E000] =	vst v63  }
0x9d: {  	_ =	swait.ge [sflag:s14], $0x4000  }
0x9e: {  	s26 =	smov.u32 s30;
	s25 =	sshra.s32 s29, $0x2;
	[sflag:s14] =	ssyncset.done $0x0  }
0x9f: {  	s26 =	sadd.s32 $0x80, s25;
	[sflag:s14] =	ssyncadd.s32 $0xFFFFC000  }
0xa0: {  	[tilespmem:s18], [sflag:$0x2] =	stream.indirect.gather [hbm4b:s4+s16], $0x80, s26, s16, $0xb8;
	[tilespmem:$0x1E000] =	vst v63  }
0xa1: {  	_ =	swait.ge [sflag:s19], $0x4000  }
0xa2: {  	[sflag:s19] =	ssyncset.done $0x0  }
0xa3: {  	s29 =	sadd.s32 $0x1000, s25;
	[sflag:s19] =	ssyncadd.s32 $0xFFFFC000  }
0xa4: {  	[spmem:s2] =	stream.indirect.scatter.add.f32 [tilespmem:s17], [sflag:$0x3], $0x80, s29, s16, $0xb8;
	[tilespmem:$0x1E000] =	vst v63  }
0xa5: {  	_ =	swait.ge [sflag:s14], $0x4000  }
0xa6: {  	[sflag:s14] =	ssyncset.done $0x0  }
0xa7: {  	s30 =	sadd.s32 $0x100, s25;
	[sflag:s14] =	ssyncadd.s32 $0xFFFFC000  }
0xa8: {  	[tilespmem:s17], [sflag:$0x1] =	stream.indirect.gather [hbm4b:s4+s16], $0x80, s30, s16, $0xb8;
	[tilespmem:$0x1E000] =	vst v63  }
0xa9: {  	_ =	swait.ge [sflag:s20], $0x4000  }
0xaa: {  	[sflag:s20] =	ssyncset.done $0x0  }
0xab: {  	s31 =	sadd.s32 $0x1080, s25;
	[sflag:s20] =	ssyncadd.s32 $0xFFFFC000  }
0xac: {  	[spmem:s2] =	stream.indirect.scatter.add.f32 [tilespmem:s18], [sflag:$0x3], $0x80, s31, s16, $0xb8;
	[tilespmem:$0x1E000] =	vst v63  }
0xad: {  	_ =	swait.ge [sflag:s14], $0x4000  }
0xae: {  	[sflag:s14] =	ssyncset.done $0x0  }
0xaf: {  	[sflag:s14] =	ssyncadd.s32 $0xFFFFC000  }
0xb0: {  	[tilespmem:s18], [sflag:$0x2] =	stream.indirect.gather [hbm4b:s4+s16], $0x80, s21, s16, $0xb8;
	[tilespmem:$0x1E000] =	vst v63  }
0xb1: {  	_ =	swait.ge [sflag:s19], $0x4000  }
0xb2: {  	[sflag:s19] =	ssyncset.done $0x0  }
0xb3: {  	[sflag:s19] =	ssyncadd.s32 $0xFFFFC000  }
0xb4: {  	[spmem:s2] =	stream.indirect.scatter.add.f32 [tilespmem:s17], [sflag:$0x3], $0x80, s22, s16, $0xb8;
	[tilespmem:$0x1E000] =	vst v63  }
0xb5: {  	_ =	swait.ge [sflag:s14], $0x4000  }
0xb6: {  	[sflag:s14] =	ssyncset.done $0x0  }
0xb7: {  	[sflag:s14] =	ssyncadd.s32 $0xFFFFC000  }
0xb8: {  	[tilespmem:s17], [sflag:$0x1] =	stream.indirect.gather [hbm4b:s4+s16], $0x80, s21, s16, $0xb8;
	[tilespmem:$0x1E000] =	vst v63  }
0xb9: {  	_ =	swait.ge [sflag:s20], $0x4000  }
0xba: {  	[sflag:s20] =	ssyncset.done $0x0  }
0xbb: {  	s24 =	sadd.s32 $0x1, s24;
	[sflag:s20] =	ssyncadd.s32 $0xFFFFC000  }
0xbc: {  	[spmem:s2] =	stream.indirect.scatter.add.f32 [tilespmem:s18], [sflag:$0x3], $0x80, s23, s16, $0xb8;
	[tilespmem:$0x1E000] =	vst v63  }
0xbd: {  	p1 =	seq.s32 s24, $0x5;
	_ =	swait.ge [sflag:s14], $0x4000  }
.Ltmp7:
0xbe: {  	[sflag:s14] =	ssyncset.done $0x0;
	(pc) =	sbr.rel @!p1 .LBB2_2-.Ltmp7, $4  }
.Ltmp8:
0xbf: {  	[sflag:s14] =	ssyncadd.s32 $0xFFFFC000;
	(pc) =	sbr.rel @p1 .LBB2_8-.Ltmp8, $4  }
0xc0: {  	_ =	swait.ge [sflag:s19], $0x4000  }
0xc1: {  	[sflag:s19] =	ssyncset.done $0x0  }
0xc2: {  	[sflag:s19] =	ssyncadd.s32 $0xFFFFC000  }
0xc3: {  	_ = 	snop  }
.LBB2_9:
0xc4: {  	_ =	sfence.sel $0x180000  }
0xc5: {  	[bflag:$0x0] =	sbarrier.arrive $0xFFFF  }
0xc6: {  	p0 =	sne.s32 s1, $0x0;
	_ =	strace $0x9000004A  }
0xc7: {  	s0 =	sadd.s32 @!p0 $0x100000, s0;
	[bflag:$0x2] =	sbarrier.arrive $0xFFFF  }
0xc8: {  	[sflag:s0] =	ssyncadd.tile.s32 @!p0 $0x1;
	_ =	shalt  }
.Lfunc_end2:
_tile_overlayer_lowered:
.L_overlay_start_2:
0xc9: {  	(tag) =	ssettag $0x2  }
0xca: {  	s0 =	rddreg [dreg:$0x0];
	s2 =	stileid.u32  }
0xcb: {  	s1 =	rddreg [dreg:$0x1];
	p0 =	sne.s32 s2, $0x0  }
0xcc: {  	s3 =	rddreg [dreg:$0x2];
	[bflag:$0x3] =	sbarrier.arrive $0xFFFF;
	s2 =	simm.s32 @!p0 $0x1C03  }
0xcd: {  	[timem:s3], [sflag:s2] =	dma.local @!p0 [hbm:s0], s1  }
0xce: {  	s0 =	simm.s32 @!p0 $0x3  }
0xcf: {  	_ =	swait.ge @!p0 [sflag:s0], s1  }
0xd0: {  	s1 =	ssub.s32 @!p0 $0x0, s1;
	[sflag:s0] =	ssyncset.done @!p0 $0x0  }
0xd1: {  	[sflag:s0] =	ssyncadd.s32 @!p0 s1  }
0xd2: {  	[bflag:$0x3] =	sbarrier.arrive $0xFFFF  }
0xd3: {  	_ =	shalt  }

// kernel: kernel.14.cloned.1.call-start
scs
__scs_entry_jumppad:
0x0: {  	(pc) =	sbr.rel $0x88, $3  }
0x1: {  	(tag) =	ssettag $0x0;
	lr =	simm.s32 $0x1  }
0x2: {  	[smem:$0x3F99] =	sst lr;
	_ =	strace $0xD0000000  }
0x3: {  	_ = 	snop  }
0x4: {  	_ = 	snop  }
0x5: {  	_ = 	snop  }
0x6: {  	_ = 	snop  }
0x7: {  	_ = 	snop  }
__scs_overlays_trampoline_lowered:
0x8: {  	[smem:$0x3FA8] =	sst s0  }
0x9: {  	[smem:$0x3FA9] =	sst s1  }
0xa: {  	[smem:$0x3FAA] =	sst s2  }
0xb: {  	[smem:$0x3FAB] =	sst s3  }
0xc: {  	[smem:$0x3FAC] =	sst s4  }
0xd: {  	[smem:$0x3FAD] =	sst s5  }
0xe: {  	[smem:$0x3FAE] =	sst s6  }
0xf: {  	[smem:$0x3FAF] =	sst s7  }
0x10: {  	[smem:$0x3FB0] =	sst s8  }
0x11: {  	[smem:$0x3FB1] =	sst s9;
	s0 =	simm.s32 @!p0 $0x0  }
0x12: {  	s1 =	sld [smem:$0x3F97];
	s0 =	simm.s32 @p0 $0x1  }
0x13: {  	[smem:$0x3FB2] =	sst s0;
	s0 =	simm.s32 @!p1 $0x0  }
0x14: {  	s2 =	sld [smem:$0x3F96];
	s0 =	simm.s32 @p1 $0x1  }
0x15: {  	[smem:$0x3FB3] =	sst s0;
	s0 =	simm.s32 @!p2 $0x0  }
0x16: {  	s3 =	sld [smem:$0x3FDB];
	s0 =	simm.s32 @p2 $0x1  }
0x17: {  	s4 =	simm.s32 $0x1BF5;
	[smem:$0x3FB5] =	sst s0  }
0x18: {  	s0 =	sld [smem:$0x3F98];
	_ =	swait.ge [sflag:s4], $0x0  }
0x19: {  	s7 =	sld [smem:$0x3F99]  }
0x1a: {  	s8 =	sadd.s32 $0xFFFFE003, lr  }
0x1b: {  	s9 =	sadd.s32 $0xFFFFFEF7, lr;
	s5 =	simm.s32 $0xFFFFFFFF;
	p2 =	slt.u32 s8, $0xFFFFF086  }
0x1c: {  	p1 =	slt.u32 s9, $0xF7A;
	s5 =	simm.s32 @!p2 $0x0  }
0x1d: {  	s5 =	simm.s32 @p1 $0x1;
	p0 =	seq.s32 s7, s2  }
0x1e: {  	s7 =	smul.u32 @!p0 $0xF7A, s2;
	p2 =	seq.s32 @!p0 s5, $0x0  }
0x1f: {  	s9 =	smul.u32 $0xF7A, s1;
	s8 =	simm.s32 @!p0 $0x1BF5;
	p2 =	por !p2, p0  }
0x20: {  	[sflag:s8] =	ssyncset.s32 @!p0 $0xFFFFF086;
	s6 =	sadd.s32 @!p0 s3, s7;
	s7 =	simm.s32 @!p0 $0x108  }
0x21: {  	s3 =	sadd.s32 s3, s9;
	s6 =	sadd.s32 @!p0 $0x88, s6;
	s7 =	simm.s32 @p2 $0x1082  }
0x22: {  	[simem:s7], [sflag:s8] =	dma.local @!p0 [hbm:s6], $0xF7A  }
0x23: {  	s9 =	sor.u32 $0xD0000000, s2;
	s6 =	simm.s32 $0x108;
	_ =	swait.ge @!p0 [sflag:s8], $0x0  }
0x24: {  	s3 =	sadd.s32 $0x88, s3;
	s6 =	simm.s32 @!p1 $0x1082;
	[sflag:s4] =	ssyncset.s32 $0xFFFFF086  }
0x25: {  	[simem:s6], [sflag:s4] =	dma.local [hbm:s3], $0xF7A  }
0x26: {  	[smem:$0x3F99] =	sst s1;
	(tag) =	ssettag s2;
	_ =	strace s9  }
0x27: {  	s1 =	sld [smem:$0x3FA9]  }
0x28: {  	s2 =	sld [smem:$0x3FAA]  }
0x29: {  	s4 =	sld [smem:$0x3FAC]  }
0x2a: {  	p0 =	seq.s32 s5, $0x0;
	s5 =	sld [smem:$0x3FAD]  }
0x2b: {  	s6 =	sld [smem:$0x3FAE]  }
0x2c: {  	s7 =	sld [smem:$0x3FAF]  }
0x2d: {  	s3 =	simm.s32 $0x108;
	s8 =	sld [smem:$0x3FB0]  }
0x2e: {  	s3 =	simm.s32 @!p0 $0x1082;
	s9 =	sld [smem:$0x3FB1]  }
0x2f: {  	lr =	sadd.s32 s0, s3;
	s0 =	sld [smem:$0x3FA8]  }
0x30: {  	s3 =	sld [smem:$0x3FAB]  }
0x31: {  	[smem:$0x3FB4] =	sst s10  }
0x32: {  	s10 =	sld [smem:$0x3FB2];
	_ =	sdelay $0x3  }
0x33: {  	p0 =	seq.s32 s10, $0x1;
	s10 =	sld [smem:$0x3FB4];
	_ =	sdelay $0x3  }
0x34: {  	[smem:$0x3FB4] =	sst s10  }
0x35: {  	s10 =	sld [smem:$0x3FB3];
	_ =	sdelay $0x3  }
0x36: {  	p1 =	seq.s32 s10, $0x1;
	s10 =	sld [smem:$0x3FB4];
	_ =	sdelay $0x3  }
0x37: {  	[smem:$0x3FB4] =	sst s10  }
0x38: {  	s10 =	sld [smem:$0x3FB5]  }
0x39: {  	_ = 	snop;
	(pc) =	sbr.ind lr, $3  }
0x3a: {  	_ = 	snop  }
0x3b: {  	_ = 	snop  }
0x3c: {  	p2 =	seq.s32 s10, $0x1;
	s10 =	sld [smem:$0x3FB4]  }
0x3d: {  	_ =	shalt  }
0x3e: {  	_ =	shalt  }
0x3f: {  	_ =	shalt  }
0x40: {  	_ =	shalt  }
0x41: {  	_ =	shalt  }
0x42: {  	_ =	shalt  }
0x43: {  	_ =	shalt  }
0x44: {  	_ =	shalt  }
0x45: {  	_ =	shalt  }
0x46: {  	_ =	shalt  }
0x47: {  	_ =	shalt  }
0x48: {  	_ =	shalt  }
0x49: {  	_ =	shalt  }
0x4a: {  	_ =	shalt  }
0x4b: {  	_ =	shalt  }
0x4c: {  	_ =	shalt  }
0x4d: {  	_ =	shalt  }
0x4e: {  	_ =	shalt  }
0x4f: {  	_ =	shalt  }
0x50: {  	_ =	shalt  }
0x51: {  	_ =	shalt  }
0x52: {  	_ =	shalt  }
0x53: {  	_ =	shalt  }
0x54: {  	_ =	shalt  }
0x55: {  	_ =	shalt  }
0x56: {  	_ =	shalt  }
0x57: {  	_ =	shalt  }
0x58: {  	_ =	shalt  }
0x59: {  	_ =	shalt  }
0x5a: {  	_ =	shalt  }
0x5b: {  	_ =	shalt  }
0x5c: {  	_ =	shalt  }
0x5d: {  	_ =	shalt  }
0x5e: {  	_ =	shalt  }
0x5f: {  	_ =	shalt  }
0x60: {  	_ =	shalt  }
0x61: {  	_ =	shalt  }
0x62: {  	_ =	shalt  }
0x63: {  	_ =	shalt  }
0x64: {  	_ =	shalt  }
0x65: {  	_ =	shalt  }
0x66: {  	_ =	shalt  }
0x67: {  	_ =	shalt  }
0x68: {  	_ =	shalt  }
0x69: {  	_ =	shalt  }
0x6a: {  	_ =	shalt  }
0x6b: {  	_ =	shalt  }
0x6c: {  	_ =	shalt  }
0x6d: {  	_ =	shalt  }
0x6e: {  	_ =	shalt  }
0x6f: {  	_ =	shalt  }
0x70: {  	_ =	shalt  }
0x71: {  	_ =	shalt  }
0x72: {  	_ =	shalt  }
0x73: {  	_ =	shalt  }
0x74: {  	_ =	shalt  }
0x75: {  	_ =	shalt  }
0x76: {  	_ =	shalt  }
0x77: {  	_ =	shalt  }
0x78: {  	_ =	shalt  }
0x79: {  	_ =	shalt  }
0x7a: {  	_ =	shalt  }
0x7b: {  	_ =	shalt  }
0x7c: {  	_ =	shalt  }
0x7d: {  	_ =	shalt  }
0x7e: {  	_ =	shalt  }
0x7f: {  	_ =	shalt  }
0x80: {  	_ =	shalt  }
0x81: {  	_ =	shalt  }
0x82: {  	_ =	shalt  }
0x83: {  	_ =	shalt  }
0x84: {  	_ =	shalt  }
0x85: {  	_ =	shalt  }
0x86: {  	_ =	shalt  }
0x87: {  	_ =	shalt  }
.Lfunc_end0:
.L_simem_size_0:
called_computation.2_lowered:
.L_overlay_start_0:
0x88: {  	s2 =	sld [smem:$0x3FD9]  }
0x89: {  	s3 =	sld [smem:$0x3FFE];
	_ =	sdelay $0x1  }
0x8a: {  	s1 =	srdreg.scid  }
0x8b: {  	s0 =	sand.u32 $0x1, s1  }
0x8c: {  	s16 =	sshll.u32 s0, $0xA;
	s2 =	sadd.s32 s3, s2  }
0x8d: {  	s2 =	sadd.s32 s2, s16  }
0x8e: {  	[smem:$0x3FC0] =	sst s2  }
0x8f: {  	_ = 	snop  }
0x90: {  	(tm) =	ssettm $0x1  }
0x91: {  	s17 =	sld [smem:$0x3FFB];
	_ =	sdelay $0x3  }
0x92: {  	_ =	strace s17  }
0x93: {  	s2 =	sld [smem:$0x3FFC];
	_ =	sdelay $0x3  }
0x94: {  	_ =	strace s2  }
0x95: {  	s2 =	sld [smem:$0x3FFD];
	_ =	sdelay $0x3  }
0x96: {  	_ =	strace s2  }
0x97: {  	_ =	strace $0x8FFFFFFF  }
0x98: {  	s18 =	sld [smem:$0x3FDB];
	_ =	sdelay $0x1  }
0x99: {  	s19 =	simm.s32 $_scs_section_size  }
0x9a: {  	s4 =	simm.s32 $_size__tile_overlayer_lowered;
	s5 =	simm.s32 $_tile_overlayer_lowered  }
0x9b: {  	s22 =	simm.s32 $0x1BFF;
	s21 =	sshll.u32 s5, $0x1;
	s2 =	sadd.s32 s19, s18  }
0x9c: {  	s6 =	simm.s32 $0x0;
	s20 =	sshll.u32 s4, $0x1;
	s4 =	sadd.s32 s21, s2  }
0x9d: {  	[timem:s6], [sflag:s22] =	dma.local [hbm:s4], s20  }
0x9e: {  	_ =	swait.ge [sflag:s22], s20  }
0x9f: {  	s3 =	ssub.s32 $0x0, s20;
	[sflag:s22] =	ssyncset.done $0x0  }
0xa0: {  	[sflag:s22] =	ssyncadd.s32 s3;
	_ =	sdelay $0x1  }
0xa1: {  	s23 =	simm.s32 $0x1B8B  }
0xa2: {  	_ =	swait.ge [sflag:s23], $0x1  }
0xa3: {  	[sflag:s23] =	ssyncset.done $0x0  }
0xa4: {  	s25 =	simm.s32 $0x1B8E;
	s24 =	sld [smem:$0x3FFE];
	[sflag:s23] =	ssyncadd.s32 $0xFFFFFFFF  }
0xa5: {  	s26 =	simm.s32 $execute0_lowered;
	[smem:$0x3FD2] =	sst s25  }
0xa6: {  	s4 =	sshll.u32 s26, $0x1;
	_ =	strace $0x8000004C;
	[dreg:$0x1] =	wrdreg $0xFFFFFFFF  }
0xa7: {  	s28 =	simm.s32 $_size_execute0_lowered;
	s2 =	sadd.s32 s2, s4;
	[dreg:$0x0] =	wrdreg $0x0  }
0xa8: {  	s4 =	sshll.u32 s28, $0x1;
	[dreg:$0x2] =	wrdreg s2  }
0xa9: {  	[dreg:$0x3] =	wrdreg s4  }
0xaa: {  	[dreg:$0x4] =	wrdreg $0xC0  }
0xab: {  	_ =	task [dreg:s6], $0x5FFFF  }
0xac: {  	[dreg:$0x1] =	wrdreg $0xFFFFFFFF  }
0xad: {  	[dreg:$0x0] =	wrdreg $0x60  }
0xae: {  	[dreg:$0x2] =	wrdreg s24  }
0xaf: {  	[dreg:$0x3] =	wrdreg $0xA0000  }
0xb0: {  	[dreg:$0x4] =	wrdreg $0x9  }
0xb1: {  	_ =	task.clear_ibuf [dreg:s6], $0x5FFFF;
	_ =	strace $0x9000004C  }
0xb2: {  	s29 =	simm.s32 $0x9;
	_ =	strace $0x8000004E  }
0xb3: {  	_ =	swait.ge [sflag:s29], $0x1  }
0xb4: {  	[sflag:s29] =	ssyncadd.s32 $0xFFFFFFFF  }
0xb5: {  	_ =	strace $0x9000004E  }
0xb6: {  	_ =	sfence  }
0xb7: {  	s30 =	sld [smem:$0x0];
	_ =	sdelay $0x2  }
0xb8: {  	s31 =	sshll.u32 s1, $0xD;
	s1 =	sshrl.u32 s1, $0x2  }
0xb9: {  	s3 =	sand.u32 $0x4000, s31;
	s1 =	sadd.s32 s1, s30  }
0xba: {  	s0 =	sor.u32 s3, s0;
	s1 =	sshll.u32 s1, $0x11  }
0xbb: {  	s0 =	sor.u32 s1, s0  }
0xbc: {  	s0 =	sadd.s32 $0x8F2B, s0  }
0xbd: {  	[sflag:s0] =	ssyncadd.remote.s32 $0x1  }
0xbe: {  	_ =	sfence.sel $0xFFFF  }
0xbf: {  	[dreg:$0x0] =	wrdreg $0xFFFFFFFF;
	(pc) =	sbr.abs _section_cstart, $3  }
0xc0: {  	[dreg:$0x1] =	wrdreg $0xFFFFFFFF  }
0xc1: {  	_ =	task.clear_ibuf [dreg:s6], $0x2FFFF;
	_ =	strace $0x9FFFFFFF  }
0xc2: {  	(tm) =	ssettm $0x7FFFFFFF  }
0xc3: {  	_ =	shalt  }
tec
execute0_lowered:
.L_overlay_start_1:
0x0: {  	(tag) =	ssettag $0x1  }
0x1: {  	s8 =	rddreg [dreg:$0x0]  }
0x2: {  	s2 =	rddreg [dreg:$0x1]  }
0x3: {  	s0 =	rddreg [dreg:$0x2];
	s3 =	simm.s32 $0x0  }
0x4: {  	s1 =	stileid.u32;
	s4 =	srdreg.scid;
	s15 =	simm.s32 $0x1000  }
0x5: {  	s16 =	simm.s32 $0x80;
	s17 =	simm.s32 $0x2000;
	s18 =	simm.s32 $0x6000  }
0x6: {  	s19 =	simm.s32 $0x1;
	s20 =	simm.s32 $0x2;
	s21 =	simm.s32 $0xF80  }
0x7: {  	s22 =	simm.s32 $0x1F00;
	s23 =	simm.s32 $0x1F80;
	[smem:$0x7FF] =	sst s3  }
0x8: {  	s9 =	smul.u32 $0x2800, s1;
	s10 =	sand.u32 $0x1, s4;
	s4 =	sadd.s32 $0x35600, s8  }
0x9: {  	s5 =	sadd.s32 $0x5D600, s8;
	s6 =	sadd.s32 $0x85600, s8;
	s13 =	smul.u32 $0x50000, s1  }
0xa: {  	s7 =	sadd.s32 $0x3600, s8;
	s31 =	sshll.u32 s1, $0x6;
	s11 =	smul.u32 $0x28000, s10  }
0xb: {  	s12 =	ssub.s32 $0x2, s10;
	p0 =	seq.s32 s10, $0x1;
	s10 =	smul.u32 $0x5000, s1  }
.Ltmp0:
0xc: {  	_ =	strace $0x8000004D;
	s29 =	sshrl.u32 s12, $0x1;
	(pc) =	sbr.rel .LBB2_1-.Ltmp0, $4  }
0xd: {  	s30 =	sshrl.u32 s13, $0x2;
	s11 =	sadd.s32 s9, s11;
	s9 =	sadd.s32 s9, s8  }
0xe: {  	s12 =	ssub.s32 s12, s29;
	s14 =	sadd.s32 s30, s2;
	s11 =	sadd.s32 s11, s8  }
0xf: {  	s8 =	sadd.s32 $0xD600, s9;
	s9 =	sor.u32 $0x1C03, s31;
	s12 =	smax.u32 s12, $0x1  }
0x10: {  	s13 =	sshrl.u32 s14, $0x3;
	s14 =	simm.s32 $0x3;
	s11 =	sadd.s32 $0xB7600, s11  }
.LBB2_8:
0x11: {  	s3 =	sadd.s32 $0x1, s3  }
0x12: {  	p1 =	sne.s32 s3, s12  }
.Ltmp1:
0x13: {  	[bflag:$0x0] =	sbarrier.arrive $0xFFFF;
	(pc) =	sbr.rel @!p1 .LBB2_9-.Ltmp1, $4  }
0x14: {  	[hbm:s11], [sflag:s9] =	dma.local [spmem:s13], $0x2800  }
0x15: {  	_ =	swait.ge [sflag:s14], $0x2800  }
0x16: {  	[sflag:s14] =	ssyncset.done $0x0  }
0x17: {  	[sflag:s14] =	ssyncadd.s32 $0xFFFFD800  }
.LBB2_1:
0x18: {  	[spmem:s13], [sflag:s9] =	dma.local [hbm:s8], $0x2800  }
.Ltmp2:
0x19: {  	_ =	swait.ge [sflag:s14], $0x2800;
	(pc) =	sbr.rel @!p0 .LBB2_2-.Ltmp2, $4  }
0x1a: {  	[sflag:s14] =	ssyncset.done $0x0  }
0x1b: {  	[sflag:s14] =	ssyncadd.s32 $0xFFFFD800  }
0x1c: {  	[bflag:$0x0] =	sbarrier.arrive $0xFFFF  }
0x1d: {  	s24 =	simm.s32 $0x0;
	s25 =	simm.s32 $0x0  }
.LBB2_5:
0x1e: {  	s24 =	sshll.u32 s25, $0xC  }
0x1f: {  	s24 =	sadd.s32 s10, s24  }
0x20: {  	s24 =	sshrl.u32 s24, $0x3  }
0x21: {  	s28 =	simm.s32 $0x0;
	s26 =	sadd.s32 s6, s24  }
0x22: {  	[tilespmem:s28], [sflag:$0x3] =	stream.linear.gather [hbm4b:s26+s28], $0x1000, $0x38;
	[tilespmem:$0x1E000] =	vst v63  }
0x23: {  	_ =	swait.ge [sflag:s14], $0x1000  }
0x24: {  	[sflag:s14] =	ssyncset.done $0x0  }
0x25: {  	s24 =	sadd.s32 s7, s24;
	[sflag:s14] =	ssyncadd.s32 $0xFFFFF000  }
0x26: {  	[tilespmem:s15], [sflag:$0x3] =	stream.linear.gather [hbm4b:s24+s28], $0x1000, $0x38;
	[tilespmem:$0x1E000] =	vst v63  }
0x27: {  	_ =	swait.ge [sflag:s14], $0x1000  }
0x28: {  	[sflag:s14] =	ssyncset.done $0x0  }
0x29: {  	[sflag:s14] =	ssyncadd.s32 $0xFFFFF000  }
0x2a: {  	[tilespmem:s17], [sflag:$0x1] =	stream.indirect.gather [hbm4b:s5+s16], $0x80, s28, s16, $0xb8;
	[tilespmem:$0x1E000] =	vst v63  }
0x2b: {  	s28 =	simm.s32 $0x80  }
0x2c: {  	[tilespmem:s18], [sflag:$0x2] =	stream.indirect.gather [hbm4b:s5+s16], $0x80, s28, s16, $0xb8;
	[tilespmem:$0x1E000] =	vst v63  }
0x2d: {  	_ =	swait.ge [sflag:s19], $0x4000  }
0x2e: {  	[sflag:s19] =	ssyncset.done $0x0  }
0x2f: {  	s29 =	simm.s32 $0x1000;
	[sflag:s19] =	ssyncadd.s32 $0xFFFFC000  }
0x30: {  	[spmem:s2] =	stream.indirect.scatter.add.f32 [tilespmem:s17], [sflag:$0x3], $0x80, s29, s16, $0xb8;
	[tilespmem:$0x1E000] =	vst v63  }
0x31: {  	_ =	swait.ge [sflag:s14], $0x4000  }
0x32: {  	[sflag:s14] =	ssyncset.done $0x0  }
0x33: {  	s30 =	simm.s32 $0x100;
	[sflag:s14] =	ssyncadd.s32 $0xFFFFC000  }
0x34: {  	[tilespmem:s17], [sflag:$0x1] =	stream.indirect.gather [hbm4b:s5+s16], $0x80, s30, s16, $0xb8;
	[tilespmem:$0x1E000] =	vst v63  }
0x35: {  	_ =	swait.ge [sflag:s20], $0x4000  }
0x36: {  	[sflag:s20] =	ssyncset.done $0x0  }
0x37: {  	s31 =	simm.s32 $0x1080;
	[sflag:s20] =	ssyncadd.s32 $0xFFFFC000  }
0x38: {  	[spmem:s2] =	stream.indirect.scatter.add.f32 [tilespmem:s18], [sflag:$0x3], $0x80, s31, s16, $0xb8;
	[tilespmem:$0x1E000] =	vst v63  }
0x39: {  	_ =	swait.ge [sflag:s14], $0x4000  }
0x3a: {  	s26 =	simm.s32 $0x800;
	s24 =	simm.s32 $0x100;
	[sflag:s14] =	ssyncset.done $0x0  }
.LBB2_6:
0x3b: {  	s28 =	sadd.s32 $0x80, s24  }
0x3c: {  	[sflag:s14] =	ssyncadd.s32 $0xFFFFC000;
	s29 =	smov.u32 s26;
	s30 =	sadd.s32 $0x400, s26  }
0x3d: {  	[tilespmem:s18], [sflag:$0x2] =	stream.indirect.gather [hbm4b:s5+s16], $0x80, s28, s16, $0xb8;
	[tilespmem:$0x1E000] =	vst v63  }
0x3e: {  	p1 =	sne.s32 s26, $0x3800;
	_ =	swait.ge [sflag:s19], $0x4000  }
0x3f: {  	[sflag:s19] =	ssyncset.done $0x0  }
0x40: {  	s26 =	sadd.s32 $0x1000, s24;
	[sflag:s19] =	ssyncadd.s32 $0xFFFFC000  }
0x41: {  	[spmem:s2] =	stream.indirect.scatter.add.f32 [tilespmem:s17], [sflag:$0x3], $0x80, s26, s16, $0xb8;
	[tilespmem:$0x1E000] =	vst v63  }
0x42: {  	_ =	swait.ge [sflag:s14], $0x4000  }
0x43: {  	[sflag:s14] =	ssyncset.done $0x0  }
0x44: {  	s26 =	sadd.s32 $0x100, s24;
	[sflag:s14] =	ssyncadd.s32 $0xFFFFC000  }
0x45: {  	[tilespmem:s17], [sflag:$0x1] =	stream.indirect.gather [hbm4b:s5+s16], $0x80, s26, s16, $0xb8;
	[tilespmem:$0x1E000] =	vst v63  }
0x46: {  	_ =	swait.ge [sflag:s20], $0x4000  }
.Ltmp3:
0x47: {  	[sflag:s20] =	ssyncset.done $0x0;
	(pc) =	sbr.rel @p1 .LBB2_6-.Ltmp3, $4  }
0x48: {  	s24 =	sadd.s32 $0x1080, s24;
	[sflag:s20] =	ssyncadd.s32 $0xFFFFC000  }
0x49: {  	[spmem:s2] =	stream.indirect.scatter.add.f32 [tilespmem:s18], [sflag:$0x3], $0x80, s24, s16, $0xb8;
	[tilespmem:$0x1E000] =	vst v63  }
0x4a: {  	_ =	swait.ge [sflag:s14], $0x4000  }
0x4b: {  	s26 =	smov.u32 s30;
	s24 =	sshra.s32 s29, $0x2;
	[sflag:s14] =	ssyncset.done $0x0  }
0x4c: {  	s26 =	sadd.s32 $0x80, s24;
	[sflag:s14] =	ssyncadd.s32 $0xFFFFC000  }
0x4d: {  	[tilespmem:s18], [sflag:$0x2] =	stream.indirect.gather [hbm4b:s5+s16], $0x80, s26, s16, $0xb8;
	[tilespmem:$0x1E000] =	vst v63  }
0x4e: {  	_ =	swait.ge [sflag:s19], $0x4000  }
0x4f: {  	[sflag:s19] =	ssyncset.done $0x0  }
0x50: {  	s29 =	sadd.s32 $0x1000, s24;
	[sflag:s19] =	ssyncadd.s32 $0xFFFFC000  }
0x51: {  	[spmem:s2] =	stream.indirect.scatter.add.f32 [tilespmem:s17], [sflag:$0x3], $0x80, s29, s16, $0xb8;
	[tilespmem:$0x1E000] =	vst v63  }
0x52: {  	_ =	swait.ge [sflag:s14], $0x4000  }
0x53: {  	[sflag:s14] =	ssyncset.done $0x0  }
0x54: {  	s30 =	sadd.s32 $0x100, s24;
	[sflag:s14] =	ssyncadd.s32 $0xFFFFC000  }
0x55: {  	[tilespmem:s17], [sflag:$0x1] =	stream.indirect.gather [hbm4b:s5+s16], $0x80, s30, s16, $0xb8;
	[tilespmem:$0x1E000] =	vst v63  }
0x56: {  	_ =	swait.ge [sflag:s20], $0x4000  }
0x57: {  	[sflag:s20] =	ssyncset.done $0x0  }
0x58: {  	s31 =	sadd.s32 $0x1080, s24;
	[sflag:s20] =	ssyncadd.s32 $0xFFFFC000  }
0x59: {  	[spmem:s2] =	stream.indirect.scatter.add.f32 [tilespmem:s18], [sflag:$0x3], $0x80, s31, s16, $0xb8;
	[tilespmem:$0x1E000] =	vst v63  }
0x5a: {  	_ =	swait.ge [sflag:s14], $0x4000  }
0x5b: {  	[sflag:s14] =	ssyncset.done $0x0  }
0x5c: {  	[sflag:s14] =	ssyncadd.s32 $0xFFFFC000  }
0x5d: {  	[tilespmem:s18], [sflag:$0x2] =	stream.indirect.gather [hbm4b:s5+s16], $0x80, s21, s16, $0xb8;
	[tilespmem:$0x1E000] =	vst v63  }
0x5e: {  	_ =	swait.ge [sflag:s19], $0x4000  }
0x5f: {  	[sflag:s19] =	ssyncset.done $0x0  }
0x60: {  	[sflag:s19] =	ssyncadd.s32 $0xFFFFC000  }
0x61: {  	[spmem:s2] =	stream.indirect.scatter.add.f32 [tilespmem:s17], [sflag:$0x3], $0x80, s22, s16, $0xb8;
	[tilespmem:$0x1E000] =	vst v63  }
0x62: {  	_ =	swait.ge [sflag:s14], $0x4000  }
0x63: {  	[sflag:s14] =	ssyncset.done $0x0  }
0x64: {  	[sflag:s14] =	ssyncadd.s32 $0xFFFFC000  }
0x65: {  	[tilespmem:s17], [sflag:$0x1] =	stream.indirect.gather [hbm4b:s5+s16], $0x80, s21, s16, $0xb8;
	[tilespmem:$0x1E000] =	vst v63  }
0x66: {  	_ =	swait.ge [sflag:s20], $0x4000  }
0x67: {  	[sflag:s20] =	ssyncset.done $0x0  }
0x68: {  	s25 =	sadd.s32 $0x1, s25;
	[sflag:s20] =	ssyncadd.s32 $0xFFFFC000  }
0x69: {  	[spmem:s2] =	stream.indirect.scatter.add.f32 [tilespmem:s18], [sflag:$0x3], $0x80, s23, s16, $0xb8;
	[tilespmem:$0x1E000] =	vst v63  }
0x6a: {  	p1 =	sne.s32 s25, $0x5;
	_ =	swait.ge [sflag:s14], $0x4000  }
.Ltmp4:
0x6b: {  	[sflag:s14] =	ssyncset.done $0x0;
	(pc) =	sbr.rel @p1 .LBB2_5-.Ltmp4, $4  }
.Ltmp5:
0x6c: {  	[sflag:s14] =	ssyncadd.s32 $0xFFFFC000;
	(pc) =	sbr.rel @!p1 .LBB2_8-.Ltmp5, $4  }
0x6d: {  	_ =	swait.ge [sflag:s19], $0x4000  }
0x6e: {  	[sflag:s19] =	ssyncset.done $0x0  }
0x6f: {  	[sflag:s19] =	ssyncadd.s32 $0xFFFFC000  }
0x70: {  	_ = 	snop  }
.LBB2_2:
0x71: {  	s25 =	sshll.u32 s24, $0xC  }
0x72: {  	s25 =	sadd.s32 s10, s25  }
0x73: {  	s25 =	sshrl.u32 s25, $0x3  }
0x74: {  	s28 =	simm.s32 $0x0;
	s26 =	sadd.s32 s6, s25  }
0x75: {  	[tilespmem:s28], [sflag:$0x3] =	stream.linear.gather [hbm4b:s26+s28], $0x1000, $0x38;
	[tilespmem:$0x1E000] =	vst v63  }
0x76: {  	_ =	swait.ge [sflag:s14], $0x1000  }
0x77: {  	[sflag:s14] =	ssyncset.done $0x0  }
0x78: {  	s25 =	sadd.s32 s7, s25;
	[sflag:s14] =	ssyncadd.s32 $0xFFFFF000  }
0x79: {  	[tilespmem:s15], [sflag:$0x3] =	stream.linear.gather [hbm4b:s25+s28], $0x1000, $0x38;
	[tilespmem:$0x1E000] =	vst v63  }
0x7a: {  	_ =	swait.ge [sflag:s14], $0x1000  }
0x7b: {  	[sflag:s14] =	ssyncset.done $0x0  }
0x7c: {  	[sflag:s14] =	ssyncadd.s32 $0xFFFFF000  }
0x7d: {  	[tilespmem:s17], [sflag:$0x1] =	stream.indirect.gather [hbm4b:s4+s16], $0x80, s28, s16, $0xb8;
	[tilespmem:$0x1E000] =	vst v63  }
0x7e: {  	s28 =	simm.s32 $0x80  }
0x7f: {  	[tilespmem:s18], [sflag:$0x2] =	stream.indirect.gather [hbm4b:s4+s16], $0x80, s28, s16, $0xb8;
	[tilespmem:$0x1E000] =	vst v63  }
0x80: {  	_ =	swait.ge [sflag:s19], $0x4000  }
0x81: {  	[sflag:s19] =	ssyncset.done $0x0  }
0x82: {  	s29 =	simm.s32 $0x1000;
	[sflag:s19] =	ssyncadd.s32 $0xFFFFC000  }
0x83: {  	[spmem:s2] =	stream.indirect.scatter.add.f32 [tilespmem:s17], [sflag:$0x3], $0x80, s29, s16, $0xb8;
	[tilespmem:$0x1E000] =	vst v63  }
0x84: {  	_ =	swait.ge [sflag:s14], $0x4000  }
0x85: {  	[sflag:s14] =	ssyncset.done $0x0  }
0x86: {  	s30 =	simm.s32 $0x100;
	[sflag:s14] =	ssyncadd.s32 $0xFFFFC000  }
0x87: {  	[tilespmem:s17], [sflag:$0x1] =	stream.indirect.gather [hbm4b:s4+s16], $0x80, s30, s16, $0xb8;
	[tilespmem:$0x1E000] =	vst v63  }
0x88: {  	_ =	swait.ge [sflag:s20], $0x4000  }
0x89: {  	[sflag:s20] =	ssyncset.done $0x0  }
0x8a: {  	s31 =	simm.s32 $0x1080;
	[sflag:s20] =	ssyncadd.s32 $0xFFFFC000  }
0x8b: {  	[spmem:s2] =	stream.indirect.scatter.add.f32 [tilespmem:s18], [sflag:$0x3], $0x80, s31, s16, $0xb8;
	[tilespmem:$0x1E000] =	vst v63  }
0x8c: {  	_ =	swait.ge [sflag:s14], $0x4000  }
0x8d: {  	s26 =	simm.s32 $0x800;
	s25 =	simm.s32 $0x100;
	[sflag:s14] =	ssyncset.done $0x0  }
.LBB2_3:
0x8e: {  	s28 =	sadd.s32 $0x80, s25  }
0x8f: {  	[sflag:s14] =	ssyncadd.s32 $0xFFFFC000;
	s29 =	smov.u32 s26;
	s30 =	sadd.s32 $0x400, s26  }
0x90: {  	[tilespmem:s18], [sflag:$0x2] =	stream.indirect.gather [hbm4b:s4+s16], $0x80, s28, s16, $0xb8;
	[tilespmem:$0x1E000] =	vst v63  }
0x91: {  	p1 =	sne.s32 s26, $0x3800;
	_ =	swait.ge [sflag:s19], $0x4000  }
0x92: {  	[sflag:s19] =	ssyncset.done $0x0  }
0x93: {  	s26 =	sadd.s32 $0x1000, s25;
	[sflag:s19] =	ssyncadd.s32 $0xFFFFC000  }
0x94: {  	[spmem:s2] =	stream.indirect.scatter.add.f32 [tilespmem:s17], [sflag:$0x3], $0x80, s26, s16, $0xb8;
	[tilespmem:$0x1E000] =	vst v63  }
0x95: {  	_ =	swait.ge [sflag:s14], $0x4000  }
0x96: {  	[sflag:s14] =	ssyncset.done $0x0  }
0x97: {  	s26 =	sadd.s32 $0x100, s25;
	[sflag:s14] =	ssyncadd.s32 $0xFFFFC000  }
0x98: {  	[tilespmem:s17], [sflag:$0x1] =	stream.indirect.gather [hbm4b:s4+s16], $0x80, s26, s16, $0xb8;
	[tilespmem:$0x1E000] =	vst v63  }
0x99: {  	_ =	swait.ge [sflag:s20], $0x4000  }
.Ltmp6:
0x9a: {  	[sflag:s20] =	ssyncset.done $0x0;
	(pc) =	sbr.rel @p1 .LBB2_3-.Ltmp6, $4  }
0x9b: {  	s25 =	sadd.s32 $0x1080, s25;
	[sflag:s20] =	ssyncadd.s32 $0xFFFFC000  }
0x9c: {  	[spmem:s2] =	stream.indirect.scatter.add.f32 [tilespmem:s18], [sflag:$0x3], $0x80, s25, s16, $0xb8;
	[tilespmem:$0x1E000] =	vst v63  }
0x9d: {  	_ =	swait.ge [sflag:s14], $0x4000  }
0x9e: {  	s26 =	smov.u32 s30;
	s25 =	sshra.s32 s29, $0x2;
	[sflag:s14] =	ssyncset.done $0x0  }
0x9f: {  	s26 =	sadd.s32 $0x80, s25;
	[sflag:s14] =	ssyncadd.s32 $0xFFFFC000  }
0xa0: {  	[tilespmem:s18], [sflag:$0x2] =	stream.indirect.gather [hbm4b:s4+s16], $0x80, s26, s16, $0xb8;
	[tilespmem:$0x1E000] =	vst v63  }
0xa1: {  	_ =	swait.ge [sflag:s19], $0x4000  }
0xa2: {  	[sflag:s19] =	ssyncset.done $0x0  }
0xa3: {  	s29 =	sadd.s32 $0x1000, s25;
	[sflag:s19] =	ssyncadd.s32 $0xFFFFC000  }
0xa4: {  	[spmem:s2] =	stream.indirect.scatter.add.f32 [tilespmem:s17], [sflag:$0x3], $0x80, s29, s16, $0xb8;
	[tilespmem:$0x1E000] =	vst v63  }
0xa5: {  	_ =	swait.ge [sflag:s14], $0x4000  }
0xa6: {  	[sflag:s14] =	ssyncset.done $0x0  }
0xa7: {  	s30 =	sadd.s32 $0x100, s25;
	[sflag:s14] =	ssyncadd.s32 $0xFFFFC000  }
0xa8: {  	[tilespmem:s17], [sflag:$0x1] =	stream.indirect.gather [hbm4b:s4+s16], $0x80, s30, s16, $0xb8;
	[tilespmem:$0x1E000] =	vst v63  }
0xa9: {  	_ =	swait.ge [sflag:s20], $0x4000  }
0xaa: {  	[sflag:s20] =	ssyncset.done $0x0  }
0xab: {  	s31 =	sadd.s32 $0x1080, s25;
	[sflag:s20] =	ssyncadd.s32 $0xFFFFC000  }
0xac: {  	[spmem:s2] =	stream.indirect.scatter.add.f32 [tilespmem:s18], [sflag:$0x3], $0x80, s31, s16, $0xb8;
	[tilespmem:$0x1E000] =	vst v63  }
0xad: {  	_ =	swait.ge [sflag:s14], $0x4000  }
0xae: {  	[sflag:s14] =	ssyncset.done $0x0  }
0xaf: {  	[sflag:s14] =	ssyncadd.s32 $0xFFFFC000  }
0xb0: {  	[tilespmem:s18], [sflag:$0x2] =	stream.indirect.gather [hbm4b:s4+s16], $0x80, s21, s16, $0xb8;
	[tilespmem:$0x1E000] =	vst v63  }
0xb1: {  	_ =	swait.ge [sflag:s19], $0x4000  }
0xb2: {  	[sflag:s19] =	ssyncset.done $0x0  }
0xb3: {  	[sflag:s19] =	ssyncadd.s32 $0xFFFFC000  }
0xb4: {  	[spmem:s2] =	stream.indirect.scatter.add.f32 [tilespmem:s17], [sflag:$0x3], $0x80, s22, s16, $0xb8;
	[tilespmem:$0x1E000] =	vst v63  }
0xb5: {  	_ =	swait.ge [sflag:s14], $0x4000  }
0xb6: {  	[sflag:s14] =	ssyncset.done $0x0  }
0xb7: {  	[sflag:s14] =	ssyncadd.s32 $0xFFFFC000  }
0xb8: {  	[tilespmem:s17], [sflag:$0x1] =	stream.indirect.gather [hbm4b:s4+s16], $0x80, s21, s16, $0xb8;
	[tilespmem:$0x1E000] =	vst v63  }
0xb9: {  	_ =	swait.ge [sflag:s20], $0x4000  }
0xba: {  	[sflag:s20] =	ssyncset.done $0x0  }
0xbb: {  	s24 =	sadd.s32 $0x1, s24;
	[sflag:s20] =	ssyncadd.s32 $0xFFFFC000  }
0xbc: {  	[spmem:s2] =	stream.indirect.scatter.add.f32 [tilespmem:s18], [sflag:$0x3], $0x80, s23, s16, $0xb8;
	[tilespmem:$0x1E000] =	vst v63  }
0xbd: {  	p1 =	seq.s32 s24, $0x5;
	_ =	swait.ge [sflag:s14], $0x4000  }
.Ltmp7:
0xbe: {  	[sflag:s14] =	ssyncset.done $0x0;
	(pc) =	sbr.rel @!p1 .LBB2_2-.Ltmp7, $4  }
.Ltmp8:
0xbf: {  	[sflag:s14] =	ssyncadd.s32 $0xFFFFC000;
	(pc) =	sbr.rel @p1 .LBB2_8-.Ltmp8, $4  }
0xc0: {  	_ =	swait.ge [sflag:s19], $0x4000  }
0xc1: {  	[sflag:s19] =	ssyncset.done $0x0  }
0xc2: {  	[sflag:s19] =	ssyncadd.s32 $0xFFFFC000  }
0xc3: {  	_ = 	snop  }
.LBB2_9:
0xc4: {  	_ =	sfence.sel $0x180000  }
0xc5: {  	[bflag:$0x0] =	sbarrier.arrive $0xFFFF  }
0xc6: {  	p0 =	sne.s32 s1, $0x0;
	_ =	strace $0x9000004D  }
0xc7: {  	s0 =	sadd.s32 @!p0 $0x100000, s0;
	[bflag:$0x2] =	sbarrier.arrive $0xFFFF  }
0xc8: {  	[sflag:s0] =	ssyncadd.tile.s32 @!p0 $0x1;
	_ =	shalt  }
.Lfunc_end2:
_tile_overlayer_lowered:
.L_overlay_start_2:
0xc9: {  	(tag) =	ssettag $0x2  }
0xca: {  	s0 =	rddreg [dreg:$0x0];
	s2 =	stileid.u32  }
0xcb: {  	s1 =	rddreg [dreg:$0x1];
	p0 =	sne.s32 s2, $0x0  }
0xcc: {  	s3 =	rddreg [dreg:$0x2];
	[bflag:$0x3] =	sbarrier.arrive $0xFFFF;
	s2 =	simm.s32 @!p0 $0x1C03  }
0xcd: {  	[timem:s3], [sflag:s2] =	dma.local @!p0 [hbm:s0], s1  }
0xce: {  	s0 =	simm.s32 @!p0 $0x3  }
0xcf: {  	_ =	swait.ge @!p0 [sflag:s0], s1  }
0xd0: {  	s1 =	ssub.s32 @!p0 $0x0, s1;
	[sflag:s0] =	ssyncset.done @!p0 $0x0  }
0xd1: {  	[sflag:s0] =	ssyncadd.s32 @!p0 s1  }
0xd2: {  	[bflag:$0x3] =	sbarrier.arrive $0xFFFF  }
0xd3: {  	_ =	shalt  }

// kernel: kernel.8.cloned.1.call-start
scs
__scs_entry_jumppad:
0x0: {  	(pc) =	sbr.rel $0x88, $3  }
0x1: {  	(tag) =	ssettag $0x0;
	lr =	simm.s32 $0x1  }
0x2: {  	[smem:$0x3F99] =	sst lr;
	_ =	strace $0xD0000000  }
0x3: {  	_ = 	snop  }
0x4: {  	_ = 	snop  }
0x5: {  	_ = 	snop  }
0x6: {  	_ = 	snop  }
0x7: {  	_ = 	snop  }
__scs_overlays_trampoline_lowered:
0x8: {  	[smem:$0x3FA8] =	sst s0  }
0x9: {  	[smem:$0x3FA9] =	sst s1  }
0xa: {  	[smem:$0x3FAA] =	sst s2  }
0xb: {  	[smem:$0x3FAB] =	sst s3  }
0xc: {  	[smem:$0x3FAC] =	sst s4  }
0xd: {  	[smem:$0x3FAD] =	sst s5  }
0xe: {  	[smem:$0x3FAE] =	sst s6  }
0xf: {  	[smem:$0x3FAF] =	sst s7  }
0x10: {  	[smem:$0x3FB0] =	sst s8  }
0x11: {  	[smem:$0x3FB1] =	sst s9;
	s0 =	simm.s32 @!p0 $0x0  }
0x12: {  	s1 =	sld [smem:$0x3F97];
	s0 =	simm.s32 @p0 $0x1  }
0x13: {  	[smem:$0x3FB2] =	sst s0;
	s0 =	simm.s32 @!p1 $0x0  }
0x14: {  	s2 =	sld [smem:$0x3F96];
	s0 =	simm.s32 @p1 $0x1  }
0x15: {  	[smem:$0x3FB3] =	sst s0;
	s0 =	simm.s32 @!p2 $0x0  }
0x16: {  	s3 =	sld [smem:$0x3FDB];
	s0 =	simm.s32 @p2 $0x1  }
0x17: {  	s4 =	simm.s32 $0x1BF5;
	[smem:$0x3FB5] =	sst s0  }
0x18: {  	s0 =	sld [smem:$0x3F98];
	_ =	swait.ge [sflag:s4], $0x0  }
0x19: {  	s7 =	sld [smem:$0x3F99]  }
0x1a: {  	s8 =	sadd.s32 $0xFFFFE003, lr  }
0x1b: {  	s9 =	sadd.s32 $0xFFFFFEF7, lr;
	s5 =	simm.s32 $0xFFFFFFFF;
	p2 =	slt.u32 s8, $0xFFFFF086  }
0x1c: {  	p1 =	slt.u32 s9, $0xF7A;
	s5 =	simm.s32 @!p2 $0x0  }
0x1d: {  	s5 =	simm.s32 @p1 $0x1;
	p0 =	seq.s32 s7, s2  }
0x1e: {  	s7 =	smul.u32 @!p0 $0xF7A, s2;
	p2 =	seq.s32 @!p0 s5, $0x0  }
0x1f: {  	s9 =	smul.u32 $0xF7A, s1;
	s8 =	simm.s32 @!p0 $0x1BF5;
	p2 =	por !p2, p0  }
0x20: {  	[sflag:s8] =	ssyncset.s32 @!p0 $0xFFFFF086;
	s6 =	sadd.s32 @!p0 s3, s7;
	s7 =	simm.s32 @!p0 $0x108  }
0x21: {  	s3 =	sadd.s32 s3, s9;
	s6 =	sadd.s32 @!p0 $0x88, s6;
	s7 =	simm.s32 @p2 $0x1082  }
0x22: {  	[simem:s7], [sflag:s8] =	dma.local @!p0 [hbm:s6], $0xF7A  }
0x23: {  	s9 =	sor.u32 $0xD0000000, s2;
	s6 =	simm.s32 $0x108;
	_ =	swait.ge @!p0 [sflag:s8], $0x0  }
0x24: {  	s3 =	sadd.s32 $0x88, s3;
	s6 =	simm.s32 @!p1 $0x1082;
	[sflag:s4] =	ssyncset.s32 $0xFFFFF086  }
0x25: {  	[simem:s6], [sflag:s4] =	dma.local [hbm:s3], $0xF7A  }
0x26: {  	[smem:$0x3F99] =	sst s1;
	(tag) =	ssettag s2;
	_ =	strace s9  }
0x27: {  	s1 =	sld [smem:$0x3FA9]  }
0x28: {  	s2 =	sld [smem:$0x3FAA]  }
0x29: {  	s4 =	sld [smem:$0x3FAC]  }
0x2a: {  	p0 =	seq.s32 s5, $0x0;
	s5 =	sld [smem:$0x3FAD]  }
0x2b: {  	s6 =	sld [smem:$0x3FAE]  }
0x2c: {  	s7 =	sld [smem:$0x3FAF]  }
0x2d: {  	s3 =	simm.s32 $0x108;
	s8 =	sld [smem:$0x3FB0]  }
0x2e: {  	s3 =	simm.s32 @!p0 $0x1082;
	s9 =	sld [smem:$0x3FB1]  }
0x2f: {  	lr =	sadd.s32 s0, s3;
	s0 =	sld [smem:$0x3FA8]  }
0x30: {  	s3 =	sld [smem:$0x3FAB]  }
0x31: {  	[smem:$0x3FB4] =	sst s10  }
0x32: {  	s10 =	sld [smem:$0x3FB2];
	_ =	sdelay $0x3  }
0x33: {  	p0 =	seq.s32 s10, $0x1;
	s10 =	sld [smem:$0x3FB4];
	_ =	sdelay $0x3  }
0x34: {  	[smem:$0x3FB4] =	sst s10  }
0x35: {  	s10 =	sld [smem:$0x3FB3];
	_ =	sdelay $0x3  }
0x36: {  	p1 =	seq.s32 s10, $0x1;
	s10 =	sld [smem:$0x3FB4];
	_ =	sdelay $0x3  }
0x37: {  	[smem:$0x3FB4] =	sst s10  }
0x38: {  	s10 =	sld [smem:$0x3FB5]  }
0x39: {  	_ = 	snop;
	(pc) =	sbr.ind lr, $3  }
0x3a: {  	_ = 	snop  }
0x3b: {  	_ = 	snop  }
0x3c: {  	p2 =	seq.s32 s10, $0x1;
	s10 =	sld [smem:$0x3FB4]  }
0x3d: {  	_ =	shalt  }
0x3e: {  	_ =	shalt  }
0x3f: {  	_ =	shalt  }
0x40: {  	_ =	shalt  }
0x41: {  	_ =	shalt  }
0x42: {  	_ =	shalt  }
0x43: {  	_ =	shalt  }
0x44: {  	_ =	shalt  }
0x45: {  	_ =	shalt  }
0x46: {  	_ =	shalt  }
0x47: {  	_ =	shalt  }
0x48: {  	_ =	shalt  }
0x49: {  	_ =	shalt  }
0x4a: {  	_ =	shalt  }
0x4b: {  	_ =	shalt  }
0x4c: {  	_ =	shalt  }
0x4d: {  	_ =	shalt  }
0x4e: {  	_ =	shalt  }
0x4f: {  	_ =	shalt  }
0x50: {  	_ =	shalt  }
0x51: {  	_ =	shalt  }
0x52: {  	_ =	shalt  }
0x53: {  	_ =	shalt  }
0x54: {  	_ =	shalt  }
0x55: {  	_ =	shalt  }
0x56: {  	_ =	shalt  }
0x57: {  	_ =	shalt  }
0x58: {  	_ =	shalt  }
0x59: {  	_ =	shalt  }
0x5a: {  	_ =	shalt  }
0x5b: {  	_ =	shalt  }
0x5c: {  	_ =	shalt  }
0x5d: {  	_ =	shalt  }
0x5e: {  	_ =	shalt  }
0x5f: {  	_ =	shalt  }
0x60: {  	_ =	shalt  }
0x61: {  	_ =	shalt  }
0x62: {  	_ =	shalt  }
0x63: {  	_ =	shalt  }
0x64: {  	_ =	shalt  }
0x65: {  	_ =	shalt  }
0x66: {  	_ =	shalt  }
0x67: {  	_ =	shalt  }
0x68: {  	_ =	shalt  }
0x69: {  	_ =	shalt  }
0x6a: {  	_ =	shalt  }
0x6b: {  	_ =	shalt  }
0x6c: {  	_ =	shalt  }
0x6d: {  	_ =	shalt  }
0x6e: {  	_ =	shalt  }
0x6f: {  	_ =	shalt  }
0x70: {  	_ =	shalt  }
0x71: {  	_ =	shalt  }
0x72: {  	_ =	shalt  }
0x73: {  	_ =	shalt  }
0x74: {  	_ =	shalt  }
0x75: {  	_ =	shalt  }
0x76: {  	_ =	shalt  }
0x77: {  	_ =	shalt  }
0x78: {  	_ =	shalt  }
0x79: {  	_ =	shalt  }
0x7a: {  	_ =	shalt  }
0x7b: {  	_ =	shalt  }
0x7c: {  	_ =	shalt  }
0x7d: {  	_ =	shalt  }
0x7e: {  	_ =	shalt  }
0x7f: {  	_ =	shalt  }
0x80: {  	_ =	shalt  }
0x81: {  	_ =	shalt  }
0x82: {  	_ =	shalt  }
0x83: {  	_ =	shalt  }
0x84: {  	_ =	shalt  }
0x85: {  	_ =	shalt  }
0x86: {  	_ =	shalt  }
0x87: {  	_ =	shalt  }
.Lfunc_end0:
.L_simem_size_0:
called_computation_lowered:
.L_overlay_start_0:
0x88: {  	s2 =	sld [smem:$0x3FD9]  }
0x89: {  	s3 =	sld [smem:$0x3FFE];
	_ =	sdelay $0x1  }
0x8a: {  	s1 =	srdreg.scid  }
0x8b: {  	s0 =	sand.u32 $0x1, s1  }
0x8c: {  	s17 =	sshll.u32 s0, $0xA;
	s2 =	sadd.s32 s3, s2  }
0x8d: {  	s2 =	sadd.s32 s2, s17  }
0x8e: {  	[smem:$0x3FC0] =	sst s2  }
0x8f: {  	_ = 	snop  }
0x90: {  	s2 =	sld [smem:$0x3FD0];
	(tm) =	ssettm $0x1  }
0x91: {  	s18 =	sld [smem:$0x3FFB];
	_ =	sdelay $0x3  }
0x92: {  	_ =	strace s18  }
0x93: {  	s3 =	sld [smem:$0x3FFC];
	_ =	sdelay $0x3  }
0x94: {  	_ =	strace s3  }
0x95: {  	s3 =	sld [smem:$0x3FFD];
	_ =	sdelay $0x3  }
0x96: {  	_ =	strace s3  }
0x97: {  	_ =	strace $0x8FFFFFFF  }
0x98: {  	s19 =	sld [smem:$0x3FDB];
	_ =	sdelay $0x1  }
0x99: {  	s4 =	simm.s32 $_scs_section_size  }
0x9a: {  	s5 =	simm.s32 $_size__tile_overlayer_lowered;
	s6 =	simm.s32 $_tile_overlayer_lowered  }
0x9b: {  	s22 =	simm.s32 $0x1BFF;
	s21 =	sshll.u32 s6, $0x1;
	s3 =	sadd.s32 s4, s19  }
0x9c: {  	s7 =	simm.s32 $0x0;
	s20 =	sshll.u32 s5, $0x1;
	s5 =	sadd.s32 s21, s3  }
0x9d: {  	[timem:s7], [sflag:s22] =	dma.local [hbm:s5], s20  }
0x9e: {  	_ =	swait.ge [sflag:s22], s20  }
0x9f: {  	s4 =	ssub.s32 $0x0, s20;
	[sflag:s22] =	ssyncset.done $0x0  }
0xa0: {  	[sflag:s22] =	ssyncadd.s32 s4;
	_ =	sdelay $0x1  }
0xa1: {  	s23 =	simm.s32 $0x1B8B  }
0xa2: {  	_ =	swait.ge [sflag:s23], $0x1  }
0xa3: {  	[sflag:s23] =	ssyncset.done $0x0  }
0xa4: {  	s25 =	simm.s32 $0x1B8E;
	s24 =	sld [smem:$0x3FFE];
	[sflag:s23] =	ssyncadd.s32 $0xFFFFFFFF  }
0xa5: {  	s26 =	simm.s32 $execute0_lowered;
	[smem:$0x3FD2] =	sst s25  }
0xa6: {  	s5 =	sshll.u32 s26, $0x1;
	_ =	strace $0x80000046;
	[dreg:$0x1] =	wrdreg $0xFFFFFFFF  }
0xa7: {  	s28 =	simm.s32 $_size_execute0_lowered;
	s3 =	sadd.s32 s3, s5;
	[dreg:$0x0] =	wrdreg $0x0  }
0xa8: {  	s5 =	sshll.u32 s28, $0x1;
	[dreg:$0x2] =	wrdreg s3  }
0xa9: {  	[dreg:$0x3] =	wrdreg s5  }
0xaa: {  	[dreg:$0x4] =	wrdreg $0xC0  }
0xab: {  	_ =	task [dreg:s7], $0x5FFFF  }
0xac: {  	[dreg:$0x1] =	wrdreg $0xFFFFFFFF  }
0xad: {  	[dreg:$0x0] =	wrdreg $0x60  }
0xae: {  	[dreg:$0x2] =	wrdreg s24  }
0xaf: {  	[dreg:$0x3] =	wrdreg s2  }
0xb0: {  	[dreg:$0x4] =	wrdreg $0x90000  }
0xb1: {  	[dreg:$0x5] =	wrdreg $0x9  }
0xb2: {  	_ =	task.clear_ibuf [dreg:s7], $0x6FFFF;
	_ =	strace $0x90000046  }
0xb3: {  	s29 =	simm.s32 $0x9;
	_ =	strace $0x80000048  }
0xb4: {  	_ =	swait.ge [sflag:s29], $0x1  }
0xb5: {  	[sflag:s29] =	ssyncadd.s32 $0xFFFFFFFF  }
0xb6: {  	_ =	strace $0x90000048  }
0xb7: {  	_ =	sfence  }
0xb8: {  	s30 =	sld [smem:$0x0];
	_ =	sdelay $0x2  }
0xb9: {  	s31 =	sshll.u32 s1, $0xD;
	s1 =	sshrl.u32 s1, $0x2  }
0xba: {  	s3 =	sand.u32 $0x4000, s31;
	s1 =	sadd.s32 s1, s30  }
0xbb: {  	s0 =	sor.u32 s3, s0;
	s1 =	sshll.u32 s1, $0x11  }
0xbc: {  	s0 =	sor.u32 s1, s0  }
0xbd: {  	s0 =	sadd.s32 $0x8F2B, s0  }
0xbe: {  	[sflag:s0] =	ssyncadd.remote.s32 $0x1  }
0xbf: {  	_ =	sfence.sel $0xFFFF  }
0xc0: {  	[dreg:$0x0] =	wrdreg $0xFFFFFFFF;
	(pc) =	sbr.abs _section_cstart, $3  }
0xc1: {  	[dreg:$0x1] =	wrdreg $0xFFFFFFFF  }
0xc2: {  	_ =	task.clear_ibuf [dreg:s7], $0x2FFFF;
	_ =	strace $0x9FFFFFFF  }
0xc3: {  	(tm) =	ssettm $0x7FFFFFFF  }
tec
execute0_lowered:
.L_overlay_start_1:
0x0: {  	(tag) =	ssettag $0x1  }
0x1: {  	s5 =	rddreg [dreg:$0x0]  }
0x2: {  	s2 =	rddreg [dreg:$0x1]  }
0x3: {  	s3 =	rddreg [dreg:$0x2]  }
0x4: {  	s0 =	rddreg [dreg:$0x3]  }
0x5: {  	s1 =	stileid.u32;
	s7 =	srdreg.scid  }
0x6: {  	s4 =	simm.s32 $0x0;
	s14 =	simm.s32 $0x80;
	s6 =	smul.u32 $0xA00, s1  }
0x7: {  	s15 =	simm.s32 $0x0;
	s8 =	smul.u32 $0x2800, s1;
	s7 =	sand.u32 $0x1, s7  }
0x8: {  	[smem:$0x7FF] =	sst s4;
	s12 =	smul.u32 $0x50000, s1;
	s31 =	sshll.u32 s1, $0x6  }
0x9: {  	s9 =	smul.u32 $0x28000, s7;
	_ =	strace $0x80000047;
	s10 =	ssub.s32 $0x2, s7  }
0xa: {  	s30 =	smul.u32 $0xA000, s7;
	s6 =	sadd.s32 s6, s5;
	s11 =	sshrl.u32 s10, $0x1  }
0xb: {  	s29 =	sshrl.u32 s12, $0x2;
	s12 =	sor.u32 $0x1C01, s31;
	s9 =	sadd.s32 s8, s9  }
0xc: {  	s8 =	sadd.s32 s8, s5;
	s10 =	ssub.s32 s10, s11;
	s13 =	sadd.s32 s29, s3  }
0xd: {  	s11 =	simm.s32 $0x5000;
	s9 =	sadd.s32 s9, s5;
	s5 =	sadd.s32 $0x3600, s6  }
0xe: {  	s6 =	sadd.s32 $0xD600, s8;
	s8 =	smax.u32 s10, $0x1;
	s10 =	simm.s32 $0x1  }
0xf: {  	s13 =	sshrl.u32 s13, $0x3;
	s7 =	sadd.s32 $0x35600, s9;
	s9 =	sshrl.u32 s30, $0x2  }
.LBB2_1:
0x10: {  	[tilespmem:s4], [sflag:$0x1] =	stream.linear.gather [hbm4b:s5+s4], $0x5000, $0x38;
	[tilespmem:$0x1D000] =	vst v63  }
0x11: {  	_ =	swait.ge [sflag:s10], $0x5000  }
0x12: {  	[sflag:s10] =	ssyncset.done $0x0  }
0x13: {  	[sflag:s10] =	ssyncadd.s32 $0xFFFFB000  }
0x14: {  	[tilespmem:s11], [sflag:$0x1] =	stream.linear.gather [hbm4b:s2+s4], $0x4000, $0x38;
	[tilespmem:$0x1D000] =	vst v63  }
0x15: {  	_ =	swait.ge [sflag:s10], $0x4000  }
0x16: {  	[sflag:s10] =	ssyncset.done $0x0  }
0x17: {  	[sflag:s10] =	ssyncadd.s32 $0xFFFFC000  }
0x18: {  	[spmem:s13], [sflag:s12] =	dma.local [hbm:s6], $0x2800  }
0x19: {  	_ =	swait.ge [sflag:s10], $0x2800  }
0x1a: {  	[sflag:s10] =	ssyncset.done $0x0  }
0x1b: {  	[sflag:s10] =	ssyncadd.s32 $0xFFFFD800  }
0x1c: {  	s16 =	sadd.s32 $0x0, s9;
	[bflag:$0x0] =	sbarrier.arrive $0xFFFF  }
0x1d: {  	[spmem:s3] =	stream.indirect.scatter.add.f32 [tilespmem:s11], [sflag:$0x1], $0x80, s16, s14, $0xb8;
	[tilespmem:$0x1D000] =	vst v63  }
0x1e: {  	s16 =	simm.s32 $0x200;
	_ =	swait.ge [sflag:s10], $0x4000  }
.LBB2_2:
0x1f: {  	s17 =	sshra.s32 s16, $0x2;
	[sflag:s10] =	ssyncset.done $0x0;
	p0 =	sne.s32 s16, $0x9E00  }
.Ltmp0:
0x20: {  	s17 =	sadd.s32 s17, s9;
	[sflag:s10] =	ssyncadd.s32 $0xFFFFC000;
	(pc) =	sbr.rel @p0 .LBB2_2-.Ltmp0, $3  }
0x21: {  	[spmem:s3] =	stream.indirect.scatter.add.f32 [tilespmem:s11], [sflag:$0x1], $0x80, s17, s14, $0xb8;
	[tilespmem:$0x1D000] =	vst v63  }
0x22: {  	s16 =	sadd.s32 $0x200, s16;
	_ =	sdelay $0x1  }
0x23: {  	_ =	swait.ge [sflag:s10], $0x4000  }
0x24: {  	[sflag:s10] =	ssyncset.done $0x0;
	s15 =	sadd.s32 $0x1, s15  }
0x25: {  	[sflag:s10] =	ssyncadd.s32 $0xFFFFC000;
	p0 =	sne.s32 s15, s8  }
.Ltmp1:
0x26: {  	[bflag:$0x0] =	sbarrier.arrive $0xFFFF;
	(pc) =	sbr.rel @p0 .LBB2_1-.Ltmp1, $4  }
0x27: {  	[hbm:s7], [sflag:s12] =	dma.local [spmem:s13], $0x2800  }
0x28: {  	_ =	swait.ge [sflag:s10], $0x2800  }
0x29: {  	[sflag:s10] =	ssyncset.done $0x0  }
0x2a: {  	[sflag:s10] =	ssyncadd.s32 $0xFFFFD800  }
0x2b: {  	_ =	sfence.sel $0x180000  }
0x2c: {  	[bflag:$0x0] =	sbarrier.arrive $0xFFFF  }
0x2d: {  	p0 =	sne.s32 s1, $0x0;
	_ =	strace $0x90000047  }
0x2e: {  	s0 =	sadd.s32 @!p0 $0x100000, s0;
	[bflag:$0x2] =	sbarrier.arrive $0xFFFF  }
0x2f: {  	[sflag:s0] =	ssyncadd.tile.s32 @!p0 $0x1;
	_ =	shalt  }
.Lfunc_end2:
_tile_overlayer_lowered:
.L_overlay_start_2:
0x30: {  	(tag) =	ssettag $0x2  }
0x31: {  	s0 =	rddreg [dreg:$0x0];
	s2 =	stileid.u32  }
0x32: {  	s1 =	rddreg [dreg:$0x1];
	p0 =	sne.s32 s2, $0x0  }
0x33: {  	s3 =	rddreg [dreg:$0x2];
	[bflag:$0x3] =	sbarrier.arrive $0xFFFF;
	s2 =	simm.s32 @!p0 $0x1C01  }
0x34: {  	[timem:s3], [sflag:s2] =	dma.local @!p0 [hbm:s0], s1  }
0x35: {  	s0 =	simm.s32 @!p0 $0x1  }
0x36: {  	_ =	swait.ge @!p0 [sflag:s0], s1  }
0x37: {  	s1 =	ssub.s32 @!p0 $0x0, s1;
	[sflag:s0] =	ssyncset.done @!p0 $0x0  }
0x38: {  	[sflag:s0] =	ssyncadd.s32 @!p0 s1  }
0x39: {  	[bflag:$0x3] =	sbarrier.arrive $0xFFFF  }
0x3a: {  	_ =	shalt  }

</sc_bundles>
